<compile_context>
chip_gen: v7x
topology: tpu7x:2x2x1
jax: 0.10.2.dev20260603
libtpu: 0.0.44.dev20260713+nightly
codegen_flags: <defaults>
</compile_context>

<pallas_src>
import jax
import jax.numpy as jnp
from jax import lax
from jax.experimental import pallas as pl
from jax.experimental.pallas import tpu as pltpu
from jax.experimental.pallas import tpu_sc as plsc

N = 10000
D = 128
E = 320000
NSUB = 16
NW = 2 * NSUB
EPW = E // NW
C = 64
KB = 4
NBQ = 10
NGQ = 4
EPWP = NGQ * NBQ * KB * C
C2 = 80
CH2 = EPW // C2
NP = 10240
RPT = NP // NSUB
R = 1000
G = N // R



def _fill2d(ref, nrows, ncols, val):
    v16 = jnp.full((16,), val, jnp.float32)
    nc = ncols // 16

    def row(i, c):
        def col(k, c2):
            ref[i, pl.ds(k * 16, 16)] = v16
            return c2
        return lax.fori_loop(0, nc, col, c)

    lax.fori_loop(0, nrows, row, 0)


def _sc_body_count(ei_h, c_out, dstx, ones_v, zc_v, cnt_sh):
    ci = lax.axis_index("c")
    si = lax.axis_index("s")
    wid = ci * NSUB + si
    pltpu.sync_copy(ei_h.at[1, wid], dstx)
    _fill2d(ones_v, C2, D, 1.0)
    _fill2d(zc_v, C2, D, 0.0)
    base = si * RPT

    def zblk(j, c):
        pltpu.sync_copy(zc_v, cnt_sh.at[pl.ds(base + j * C2, C2)])
        return c

    lax.fori_loop(0, RPT // C2, zblk, 0)
    plsc.subcore_barrier()

    def step(j, carry):
        pltpu.sync_copy(ones_v, cnt_sh.at[dstx.at[j]], add=True)
        return carry

    lax.fori_loop(0, CH2, step, 0)
    plsc.subcore_barrier()
    pltpu.sync_copy(cnt_sh.at[pl.ds(base, RPT)], c_out.at[ci, pl.ds(base, RPT)])


def _sc_body(y_h, ei_h, s_out, idxs, rows0, rows1, rows2, rows3, agg_sh,
             gsem0, gsem1, gsem2, gsem3, ssem0, ssem1, ssem2, ssem3):
    ci = lax.axis_index("c")
    si = lax.axis_index("s")
    wid = ci * NSUB + si
    _fill2d(rows0, C, D, 0.0)
    base = si * RPT

    def zblk(j, c):
        pltpu.sync_copy(rows0, agg_sh.at[pl.ds(base + j * C, C)])
        return c

    lax.fori_loop(0, RPT // C, zblk, 0)
    plsc.subcore_barrier()

    gsems = (gsem0, gsem1, gsem2, gsem3)
    ssems = (ssem0, ssem1, ssem2, ssem3)
    bufs = (rows0, rows1, rows2, rows3)

    @pl.loop(0, NGQ)
    def _(gq):
        pltpu.sync_copy(ei_h.at[wid, gq], idxs)

        @pl.loop(0, NBQ)
        def _(bq):
            gds = [
                pltpu.async_copy(y_h.at[idxs.at[bq, 2 * p]], bufs[p], gsems[p])
                for p in range(KB)
            ]
            sds = []
            for p in range(KB):
                gds[p].wait()
                sds.append(pltpu.async_copy(
                    bufs[p], agg_sh.at[idxs.at[bq, 2 * p + 1]], ssems[p], add=True))
            for p in range(KB):
                sds[p].wait()

    plsc.subcore_barrier()
    pltpu.sync_copy(agg_sh.at[pl.ds(base, RPT)], s_out.at[ci, pl.ds(base, RPT)])


def _make_sc_calls():
    mesh = plsc.VectorSubcoreMesh(core_axis_name="c", subcore_axis_name="s")
    count = pl.kernel(
        _sc_body_count,
        out_type=jax.ShapeDtypeStruct((2, NP, D), jnp.float32),
        mesh=mesh,
        scratch_types=[
            pltpu.VMEM((CH2, C2), jnp.int32),
            pltpu.VMEM((C2, D), jnp.float32),
            pltpu.VMEM((C2, D), jnp.float32),
            pltpu.VMEM_SHARED((NP, D), jnp.float32),
        ],
    )
    agg = pl.kernel(
        _sc_body,
        out_type=jax.ShapeDtypeStruct((2, NP, D), jnp.float32),
        mesh=mesh,
        scratch_types=[
            pltpu.VMEM((NBQ, 2 * KB, C), jnp.int32),
            pltpu.VMEM((C, D), jnp.float32),
            pltpu.VMEM((C, D), jnp.float32),
            pltpu.VMEM((C, D), jnp.float32),
            pltpu.VMEM((C, D), jnp.float32),
            pltpu.VMEM_SHARED((NP, D), jnp.float32),
            pltpu.SemaphoreType.DMA,
            pltpu.SemaphoreType.DMA,
            pltpu.SemaphoreType.DMA,
            pltpu.SemaphoreType.DMA,
            pltpu.SemaphoreType.DMA,
            pltpu.SemaphoreType.DMA,
            pltpu.SemaphoreType.DMA,
            pltpu.SemaphoreType.DMA,
        ],
    )
    return count, agg


_SC_COUNT, _SC_AGG = _make_sc_calls()



def _mm2_body(x_ref, wl_ref, wr_ref, b_ref, y_ref, z_ref):
    xx = x_ref[...]
    y_ref[...] = jnp.dot(xx, wl_ref[...], preferred_element_type=jnp.float32)
    z_ref[...] = jnp.dot(xx, wr_ref[...], preferred_element_type=jnp.float32) + b_ref[...]


def _comb_mm_body(sp_ref, cp_ref, z_ref, wl_ref, wr_ref, b_ref, y_ref, z1_ref):
    s = sp_ref[0] + sp_ref[1]
    cnt = cp_ref[0, :, 0:1] + cp_ref[1, :, 0:1]
    h = jnp.maximum(s / jnp.maximum(cnt, 1.0) + z_ref[...], 0.0)
    y_ref[...] = jnp.dot(h, wl_ref[...], preferred_element_type=jnp.float32)
    z1_ref[...] = jnp.dot(h, wr_ref[...], preferred_element_type=jnp.float32) + b_ref[...]


def _final_body(sp_ref, cp_ref, z_ref, o_ref):
    s = sp_ref[0] + sp_ref[1]
    cnt = cp_ref[0, :, 0:1] + cp_ref[1, :, 0:1]
    o_ref[...] = s / jnp.maximum(cnt, 1.0) + z_ref[...]


_ROWS = pl.BlockSpec((R, D), lambda i: (i, 0))
_PARTS = pl.BlockSpec((2, R, D), lambda i: (0, i, 0))
_W = pl.BlockSpec((D, D), lambda i: (0, 0))
_B = pl.BlockSpec((1, D), lambda i: (0, 0))
_ROWS_OUT = jax.ShapeDtypeStruct((N, D), jnp.float32)


def _mm2(x, wl, wr, b):
    return pl.pallas_call(
        _mm2_body,
        grid=(G,),
        in_specs=[_ROWS, _W, _W, _B],
        out_specs=[_ROWS, _ROWS],
        out_shape=[_ROWS_OUT, _ROWS_OUT],
    )(x, wl, wr, b.reshape(1, D))


def _comb_mm(sp, cp, z, wl, wr, b):
    return pl.pallas_call(
        _comb_mm_body,
        grid=(G,),
        in_specs=[_PARTS, _PARTS, _ROWS, _W, _W, _B],
        out_specs=[_ROWS, _ROWS],
        out_shape=[_ROWS_OUT, _ROWS_OUT],
    )(sp, cp, z, wl, wr, b.reshape(1, D))


def _final(sp, cp, z):
    return pl.pallas_call(
        _final_body,
        grid=(G,),
        in_specs=[_PARTS, _PARTS, _ROWS],
        out_specs=_ROWS,
        out_shape=_ROWS_OUT,
    )(sp, cp, z)



def kernel(x, edge_index, W_l0, W_r0, b0, W_l1, W_r1, b1):
    ei_w = edge_index.reshape(2, NW, EPW)
    pad_src = jnp.zeros((1, NW, EPWP - EPW), jnp.int32)
    pad_dst = jnp.full((1, NW, EPWP - EPW), NP - 1, jnp.int32)
    ei_p = jnp.concatenate(
        [ei_w, jnp.concatenate([pad_src, pad_dst], axis=0)], axis=2)
    ei_t = (ei_p.reshape(2, NW, NGQ, NBQ, KB, C)
            .transpose(1, 2, 3, 4, 0, 5)
            .reshape(NW, NGQ, NBQ, 2 * KB, C))
    ei_r2 = edge_index.reshape(2, NW, CH2, C2)

    c0 = _SC_COUNT(ei_r2)
    y0, z0 = _mm2(x, W_l0, W_r0, b0)
    s0 = _SC_AGG(y0, ei_t)
    y1, z1 = _comb_mm(s0, c0, z0, W_l1, W_r1, b1)
    s1 = _SC_AGG(y1, ei_t)
    return _final(s1, c0, z1)

# --- scband reference (transcript-rebuilt; emitter-appended) ---
"""Pipeline reference for scband-message-passing-encoder-8615704396355 (READ-ONLY COPY).

The authoritative reference and input builder live on the scoring server;
editing this copy changes nothing except your own understanding.
"""

import jax, jax.numpy as jnp
import numpy as np

N = 10000
E = 320000
D = 128
H = 128


def setup_inputs(seed: int = 0) -> dict:
    key = jax.random.key(seed)
    ks = jax.random.split(key, 8)
    x = jax.random.normal(ks[0], (N, D), dtype=jnp.float32)
    edge_index = jax.random.randint(ks[1], (2, E), 0, N, dtype=jnp.int32)
    s0 = 1.0 / np.sqrt(D)
    s1 = 1.0 / np.sqrt(H)
    W_l0 = jax.random.normal(ks[2], (D, H), dtype=jnp.float32) * s0
    W_r0 = jax.random.normal(ks[3], (D, H), dtype=jnp.float32) * s0
    b0 = jnp.zeros((H,), dtype=jnp.float32)
    W_l1 = jax.random.normal(ks[4], (H, H), dtype=jnp.float32) * s1
    W_r1 = jax.random.normal(ks[5], (H, H), dtype=jnp.float32) * s1
    b1 = jnp.zeros((H,), dtype=jnp.float32)
    return {"x": x, "edge_index": edge_index, "W_l0": W_l0, "W_r0": W_r0, "b0": b0, "W_l1": W_l1, "W_r1": W_r1, "b1": b1}


def _sage_conv(x, edge_index, W_l, W_r, b):
    # PyG SAGEConv with mean aggregation:
    # out = lin_l(mean_{j in N(i)} x_j) + lin_r(x_i)
    src = edge_index[0]
    dst = edge_index[1]
    msgs = jnp.take(x, src, axis=0)                      # gather [E, d]
    agg = jax.ops.segment_sum(msgs, dst, num_segments=N)  # scatter-add [N, d]
    cnt = jax.ops.segment_sum(jnp.ones((msgs.shape[0], 1), x.dtype), dst, num_segments=N)
    agg = agg / jnp.clip(cnt, 1.0, None)                  # mean (avoid div-by-zero)
    return agg @ W_l + x @ W_r + b


def reference(x, edge_index, W_l0, W_r0, b0, W_l1, W_r1, b1):
    h = _sage_conv(x, edge_index, W_l0, W_r0, b0)
    h = jax.nn.relu(h)  # dropout p=0.0 -> identity
    h = _sage_conv(h, edge_index, W_l1, W_r1, b1)
    return h

if __name__ == "__main__":
    import jax
    _d = setup_inputs()
    print(jax.jit(kernel)(*tuple(_d.values())))

</pallas_src>

<mosaic_0001>
#map = affine_map<(d0, d1) -> (0, 0)>
#map1 = affine_map<(d0, d1) -> (0, 0, 0, 0, 0)>
#map2 = affine_map<(d0, d1) -> (0, 0, 0)>
module attributes {stable_mosaic.version = 14 : i64} {
  func.func @_sc_body(%arg0: i32, %arg1: i32, %arg2: memref<10000x128xf32, #tpu.memory_space<hbm>>, %arg3: memref<32x4x10x8x64xi32, #tpu.memory_space<hbm>>, %arg4: memref<2x10240x128xf32, #tpu.memory_space<hbm>>, %arg5: memref<10x8x64xi32, #tpu.memory_space<vmem>>, %arg6: memref<64x128xf32, #tpu.memory_space<vmem>>, %arg7: memref<64x128xf32, #tpu.memory_space<vmem>>, %arg8: memref<64x128xf32, #tpu.memory_space<vmem>>, %arg9: memref<64x128xf32, #tpu.memory_space<vmem>>, %arg10: memref<10240x128xf32, #tpu.memory_space<vmem_shared>>, %arg11: memref<!tpu.dma_semaphore, #tpu.memory_space<semaphore_mem>>, %arg12: memref<!tpu.dma_semaphore, #tpu.memory_space<semaphore_mem>>, %arg13: memref<!tpu.dma_semaphore, #tpu.memory_space<semaphore_mem>>, %arg14: memref<!tpu.dma_semaphore, #tpu.memory_space<semaphore_mem>>, %arg15: memref<!tpu.dma_semaphore, #tpu.memory_space<semaphore_mem>>, %arg16: memref<!tpu.dma_semaphore, #tpu.memory_space<semaphore_mem>>, %arg17: memref<!tpu.dma_semaphore, #tpu.memory_space<semaphore_mem>>, %arg18: memref<!tpu.dma_semaphore, #tpu.memory_space<semaphore_mem>>) attributes {dimension_semantics = [#tpu.dimension_semantics<core_parallel>, #tpu.dimension_semantics<subcore_parallel>], iteration_bounds = array<i64: 2, 16>, scalar_prefetch = 0 : i64, scratch_operands = 14 : i64, tpu.core_type = #tpu.core_type<sc_vector_subcore>, window_params = [{transform_indices = #map}, {transform_indices = #map1}, {transform_indices = #map2}]} {
    %mul3A = arith.constant 16 : i32
    %mul3A_0 = arith.muli %arg0, %mul3A : i32
    %add3A = arith.addi %mul3A_0, %arg1 : i32
    %broadcast_in_dim3A = arith.constant 0.000000e+00 : f32
    %broadcast_in_dim3A_1 = vector.broadcast %broadcast_in_dim3A : f32 to vector<16xf32>
    %scan3A = arith.constant 0 : i32
    %scan3A_2 = arith.constant 0 : i32
    %scan3A_3 = arith.constant 64 : i32
    %scan3A_4 = arith.addi %scan3A_2, %scan3A_3 : i32
    %scan3A_5 = arith.constant 1 : i32
    scf.for %scan3A_21 = %scan3A_2 to %scan3A_4 step %scan3A_5  : i32 {
      %scan3A_22 = arith.constant 0 : i32
      %scan3A_23 = arith.constant 8 : i32
      %scan3A_24 = arith.addi %scan3A_22, %scan3A_23 : i32
      %scan3A_25 = arith.constant 1 : i32
      scf.for %scan3A_27 = %scan3A_22 to %scan3A_24 step %scan3A_25  : i32 {
        %mul3A_28 = arith.constant 16 : i32
        %mul3A_29 = arith.muli %scan3A_27, %mul3A_28 : i32
        %swap3A = arith.index_cast %scan3A_21 : i32 to index
        %swap3A_30 = arith.index_cast %mul3A_29 : i32 to index
        %swap3A_31 = tpu.vector_load %arg6[%swap3A, %swap3A_30] {strides = array<i32>} : memref<64x128xf32, #tpu.memory_space<vmem>>, vector<1x16xf32>,
        %swap3A_32 = vector.shape_cast %swap3A_31 : vector<1x16xf32> to vector<16xf32>
        %swap3A_33 = vector.shape_cast %broadcast_in_dim3A_1 : vector<16xf32> to vector<1x16xf32>
        tpu.vector_store %arg6[%swap3A, %swap3A_30], %swap3A_33 {strides = array<i32>} : memref<64x128xf32, #tpu.memory_space<vmem>>, vector<1x16xf32>,
      }
      %scan3A_26 = arith.constant 8 : i32
    }
    %scan3A_6 = arith.constant 64 : i32
    %mul3A_7 = arith.constant 640 : i32
    %mul3A_8 = arith.muli %arg1, %mul3A_7 : i32
    %scan3A_9 = arith.constant 0 : i32
    %scan3A_10 = arith.constant 0 : i32
    %scan3A_11 = arith.constant 10 : i32
    %scan3A_12 = arith.addi %scan3A_10, %scan3A_11 : i32
    %scan3A_13 = arith.constant 1 : i32
    scf.for %scan3A_21 = %scan3A_10 to %scan3A_12 step %scan3A_13  : i32 {
      %mul3A_22 = arith.constant 64 : i32
      %mul3A_23 = arith.muli %scan3A_21, %mul3A_22 : i32
      %add3A_24 = arith.addi %mul3A_8, %mul3A_23 : i32
      "tpu.region"() ({
        %run_scoped3A = tpu.sem_alloc : memref<!tpu.dma_semaphore, #tpu.memory_space<semaphore_mem>>
        %dma_start3A = arith.constant 0 : i32
        %dma_start3A_25 = tpu.memref_slice %arg10[%add3A_24, %dma_start3A] : memref<10240x128xf32, #tpu.memory_space<vmem_shared>> -> memref<64x128xf32, #tpu.memory_space<vmem_shared>>
        %dma_start3A_26 = arith.constant 0 : i32
        %dma_start3A_27 = tpu.memref_slice %arg10[%add3A_24, %dma_start3A_26] : memref<10240x128xf32, #tpu.memory_space<vmem_shared>> -> memref<64x128xf32, #tpu.memory_space<vmem_shared>>
        tpu.enqueue_dma source(%arg6 : memref<64x128xf32, #tpu.memory_space<vmem>>) target(%dma_start3A_27 : memref<64x128xf32, #tpu.memory_space<vmem_shared>>) target_semaphore(%run_scoped3A : memref<!tpu.dma_semaphore, #tpu.memory_space<semaphore_mem>>)
        %dma_wait3A = arith.constant 0 : i32
        %dma_wait3A_28 = tpu.memref_slice %arg10[%add3A_24, %dma_wait3A] : memref<10240x128xf32, #tpu.memory_space<vmem_shared>> -> memref<64x128xf32, #tpu.memory_space<vmem_shared>>
        %dma_wait3A_29 = arith.constant 0 : i32
        %dma_wait3A_30 = tpu.memref_slice %arg10[%add3A_24, %dma_wait3A_29] : memref<10240x128xf32, #tpu.memory_space<vmem_shared>> -> memref<64x128xf32, #tpu.memory_space<vmem_shared>>
        tpu.wait_dma2 semaphore(%run_scoped3A : memref<!tpu.dma_semaphore, #tpu.memory_space<semaphore_mem>>) src(%arg6 : memref<64x128xf32, #tpu.memory_space<vmem>>) dst(%dma_wait3A_30 : memref<64x128xf32, #tpu.memory_space<vmem_shared>>)
        tpu.yield
      }) : () -> ()
    }
    %scan3A_14 = arith.constant 10 : i32
    %barrier3A = arith.constant 0 : index
    tpu.barrier barrier_id(%barrier3A)
    %scan3A_15 = arith.constant 0 : i32
    %scan3A_16 = arith.constant 4 : i32
    %scan3A_17 = arith.addi %scan3A_15, %scan3A_16 : i32
    %scan3A_18 = arith.constant 1 : i32
    scf.for %scan3A_21 = %scan3A_15 to %scan3A_17 step %scan3A_18  : i32 {
      %mul3A_22 = arith.constant 1 : i32
      %mul3A_23 = arith.muli %scan3A_21, %mul3A_22 : i32
      %add3A_24 = arith.constant 0 : i32
      %add3A_25 = arith.addi %add3A_24, %mul3A_23 : i32
      "tpu.region"() ({
        %run_scoped3A = tpu.sem_alloc : memref<!tpu.dma_semaphore, #tpu.memory_space<semaphore_mem>>
        %dma_start3A = arith.constant 0 : i32
        %dma_start3A_31 = arith.constant 0 : i32
        %dma_start3A_32 = arith.constant 0 : i32
        %dma_start3A_33 = tpu.memref_slice %arg3[%add3A, %add3A_25, %dma_start3A, %dma_start3A_31, %dma_start3A_32] : memref<32x4x10x8x64xi32, #tpu.memory_space<hbm>> -> memref<1x1x10x8x64xi32, #tpu.memory_space<hbm>>
        %dma_start3A_34 = tpu.memref_squeeze %dma_start3A_33 : memref<1x1x10x8x64xi32, #tpu.memory_space<hbm>> -> memref<10x8x64xi32, #tpu.memory_space<hbm>>
        %dma_start3A_35 = arith.constant 0 : i32
        %dma_start3A_36 = arith.constant 0 : i32
        %dma_start3A_37 = arith.constant 0 : i32
        %dma_start3A_38 = tpu.memref_slice %arg3[%add3A, %add3A_25, %dma_start3A_35, %dma_start3A_36, %dma_start3A_37] : memref<32x4x10x8x64xi32, #tpu.memory_space<hbm>> -> memref<1x1x10x8x64xi32, #tpu.memory_space<hbm>>
        %dma_start3A_39 = tpu.memref_squeeze %dma_start3A_38 : memref<1x1x10x8x64xi32, #tpu.memory_space<hbm>> -> memref<10x8x64xi32, #tpu.memory_space<hbm>>
        tpu.enqueue_dma source(%dma_start3A_39 : memref<10x8x64xi32, #tpu.memory_space<hbm>>) target(%arg5 : memref<10x8x64xi32, #tpu.memory_space<vmem>>) target_semaphore(%run_scoped3A : memref<!tpu.dma_semaphore, #tpu.memory_space<semaphore_mem>>)
        %dma_wait3A = arith.constant 0 : i32
        %dma_wait3A_40 = arith.constant 0 : i32
        %dma_wait3A_41 = arith.constant 0 : i32
        %dma_wait3A_42 = tpu.memref_slice %arg3[%add3A, %add3A_25, %dma_wait3A, %dma_wait3A_40, %dma_wait3A_41] : memref<32x4x10x8x64xi32, #tpu.memory_space<hbm>> -> memref<1x1x10x8x64xi32, #tpu.memory_space<hbm>>
        %dma_wait3A_43 = tpu.memref_squeeze %dma_wait3A_42 : memref<1x1x10x8x64xi32, #tpu.memory_space<hbm>> -> memref<10x8x64xi32, #tpu.memory_space<hbm>>
        %dma_wait3A_44 = arith.constant 0 : i32
        %dma_wait3A_45 = arith.constant 0 : i32
        %dma_wait3A_46 = arith.constant 0 : i32
        %dma_wait3A_47 = tpu.memref_slice %arg3[%add3A, %add3A_25, %dma_wait3A_44, %dma_wait3A_45, %dma_wait3A_46] : memref<32x4x10x8x64xi32, #tpu.memory_space<hbm>> -> memref<1x1x10x8x64xi32, #tpu.memory_space<hbm>>
        %dma_wait3A_48 = tpu.memref_squeeze %dma_wait3A_47 : memref<1x1x10x8x64xi32, #tpu.memory_space<hbm>> -> memref<10x8x64xi32, #tpu.memory_space<hbm>>
        tpu.wait_dma2 semaphore(%run_scoped3A : memref<!tpu.dma_semaphore, #tpu.memory_space<semaphore_mem>>) src(%dma_wait3A_48 : memref<10x8x64xi32, #tpu.memory_space<hbm>>) dst(%arg5 : memref<10x8x64xi32, #tpu.memory_space<vmem>>)
        tpu.yield
      }) : () -> ()
      %scan3A_26 = arith.constant 0 : i32
      %scan3A_27 = arith.constant 10 : i32
      %scan3A_28 = arith.addi %scan3A_26, %scan3A_27 : i32
      %scan3A_29 = arith.constant 1 : i32
      scf.for %scan3A_31 = %scan3A_26 to %scan3A_28 step %scan3A_29  : i32 {
        %mul3A_32 = arith.constant 1 : i32
        %mul3A_33 = arith.muli %scan3A_31, %mul3A_32 : i32
        %add3A_34 = arith.constant 0 : i32
        %add3A_35 = arith.addi %add3A_34, %mul3A_33 : i32
        %dma_start3A = arith.constant 0 : i32
        %dma_start3A_36 = arith.constant 0 : i32
        %dma_start3A_37 = tpu.memref_slice %arg5[%add3A_35, %dma_start3A, %dma_start3A_36] : memref<10x8x64xi32, #tpu.memory_space<vmem>> -> memref<1x1x64xi32, #tpu.memory_space<vmem>>
        %dma_start3A_38 = tpu.memref_squeeze %dma_start3A_37 : memref<1x1x64xi32, #tpu.memory_space<vmem>> -> memref<64xi32, #tpu.memory_space<vmem>>
        %dma_start3A_39 = arith.constant 0 : i32
        %dma_start3A_40 = arith.constant 0 : i32
        %dma_start3A_41 = tpu.memref_slice %arg2[%dma_start3A_39, %dma_start3A_40] : memref<10000x128xf32, #tpu.memory_space<hbm>> -> memref<10000x128xf32, #tpu.memory_space<hbm>>
        tpu.enqueue_indirect_dma source(%dma_start3A_41 : memref<10000x128xf32, #tpu.memory_space<hbm>>) target(%arg6 : memref<64x128xf32, #tpu.memory_space<vmem>>) offsets(%dma_start3A_38 : memref<64xi32, #tpu.memory_space<vmem>>) semaphore(%arg11 : memref<!tpu.dma_semaphore, #tpu.memory_space<semaphore_mem>>)
        %dma_start3A_42 = arith.constant 2 : i32
        %dma_start3A_43 = arith.constant 0 : i32
        %dma_start3A_44 = tpu.memref_slice %arg5[%add3A_35, %dma_start3A_42, %dma_start3A_43] : memref<10x8x64xi32, #tpu.memory_space<vmem>> -> memref<1x1x64xi32, #tpu.memory_space<vmem>>
        %dma_start3A_45 = tpu.memref_squeeze %dma_start3A_44 : memref<1x1x64xi32, #tpu.memory_space<vmem>> -> memref<64xi32, #tpu.memory_space<vmem>>
        %dma_start3A_46 = arith.constant 0 : i32
        %dma_start3A_47 = arith.constant 0 : i32
        %dma_start3A_48 = tpu.memref_slice %arg2[%dma_start3A_46, %dma_start3A_47] : memref<10000x128xf32, #tpu.memory_space<hbm>> -> memref<10000x128xf32, #tpu.memory_space<hbm>>
        tpu.enqueue_indirect_dma source(%dma_start3A_48 : memref<10000x128xf32, #tpu.memory_space<hbm>>) target(%arg7 : memref<64x128xf32, #tpu.memory_space<vmem>>) offsets(%dma_start3A_45 : memref<64xi32, #tpu.memory_space<vmem>>) semaphore(%arg12 : memref<!tpu.dma_semaphore, #tpu.memory_space<semaphore_mem>>)
        %dma_start3A_49 = arith.constant 4 : i32
        %dma_start3A_50 = arith.constant 0 : i32
        %dma_start3A_51 = tpu.memref_slice %arg5[%add3A_35, %dma_start3A_49, %dma_start3A_50] : memref<10x8x64xi32, #tpu.memory_space<vmem>> -> memref<1x1x64xi32, #tpu.memory_space<vmem>>
        %dma_start3A_52 = tpu.memref_squeeze %dma_start3A_51 : memref<1x1x64xi32, #tpu.memory_space<vmem>> -> memref<64xi32, #tpu.memory_space<vmem>>
        %dma_start3A_53 = arith.constant 0 : i32
        %dma_start3A_54 = arith.constant 0 : i32
        %dma_start3A_55 = tpu.memref_slice %arg2[%dma_start3A_53, %dma_start3A_54] : memref<10000x128xf32, #tpu.memory_space<hbm>> -> memref<10000x128xf32, #tpu.memory_space<hbm>>
        tpu.enqueue_indirect_dma source(%dma_start3A_55 : memref<10000x128xf32, #tpu.memory_space<hbm>>) target(%arg8 : memref<64x128xf32, #tpu.memory_space<vmem>>) offsets(%dma_start3A_52 : memref<64xi32, #tpu.memory_space<vmem>>) semaphore(%arg13 : memref<!tpu.dma_semaphore, #tpu.memory_space<semaphore_mem>>)
        %dma_start3A_56 = arith.constant 6 : i32
        %dma_start3A_57 = arith.constant 0 : i32
        %dma_start3A_58 = tpu.memref_slice %arg5[%add3A_35, %dma_start3A_56, %dma_start3A_57] : memref<10x8x64xi32, #tpu.memory_space<vmem>> -> memref<1x1x64xi32, #tpu.memory_space<vmem>>
        %dma_start3A_59 = tpu.memref_squeeze %dma_start3A_58 : memref<1x1x64xi32, #tpu.memory_space<vmem>> -> memref<64xi32, #tpu.memory_space<vmem>>
        %dma_start3A_60 = arith.constant 0 : i32
        %dma_start3A_61 = arith.constant 0 : i32
        %dma_start3A_62 = tpu.memref_slice %arg2[%dma_start3A_60, %dma_start3A_61] : memref<10000x128xf32, #tpu.memory_space<hbm>> -> memref<10000x128xf32, #tpu.memory_space<hbm>>
        tpu.enqueue_indirect_dma source(%dma_start3A_62 : memref<10000x128xf32, #tpu.memory_space<hbm>>) target(%arg9 : memref<64x128xf32, #tpu.memory_space<vmem>>) offsets(%dma_start3A_59 : memref<64xi32, #tpu.memory_space<vmem>>) semaphore(%arg14 : memref<!tpu.dma_semaphore, #tpu.memory_space<semaphore_mem>>)
        %dma_wait3A = arith.constant 0 : i32
        %dma_wait3A_63 = arith.constant 0 : i32
        %dma_wait3A_64 = tpu.memref_slice %arg5[%add3A_35, %dma_wait3A, %dma_wait3A_63] : memref<10x8x64xi32, #tpu.memory_space<vmem>> -> memref<1x1x64xi32, #tpu.memory_space<vmem>>
        %dma_wait3A_65 = tpu.memref_squeeze %dma_wait3A_64 : memref<1x1x64xi32, #tpu.memory_space<vmem>> -> memref<64xi32, #tpu.memory_space<vmem>>
        %dma_wait3A_66 = arith.constant 0 : i32
        %dma_wait3A_67 = arith.constant 0 : i32
        %dma_wait3A_68 = tpu.memref_slice %arg2[%dma_wait3A_66, %dma_wait3A_67] : memref<10000x128xf32, #tpu.memory_space<hbm>> -> memref<10000x128xf32, #tpu.memory_space<hbm>>
        tpu.wait_indirect_dma semaphore(%arg11 : memref<!tpu.dma_semaphore, #tpu.memory_space<semaphore_mem>>) src(%dma_wait3A_68 : memref<10000x128xf32, #tpu.memory_space<hbm>>) dst(%arg6 : memref<64x128xf32, #tpu.memory_space<vmem>>)
        %dma_start3A_69 = arith.constant 1 : i32
        %dma_start3A_70 = arith.constant 0 : i32
        %dma_start3A_71 = tpu.memref_slice %arg5[%add3A_35, %dma_start3A_69, %dma_start3A_70] : memref<10x8x64xi32, #tpu.memory_space<vmem>> -> memref<1x1x64xi32, #tpu.memory_space<vmem>>
        %dma_start3A_72 = tpu.memref_squeeze %dma_start3A_71 : memref<1x1x64xi32, #tpu.memory_space<vmem>> -> memref<64xi32, #tpu.memory_space<vmem>>
        %dma_start3A_73 = arith.constant 0 : i32
        %dma_start3A_74 = arith.constant 0 : i32
        %dma_start3A_75 = tpu.memref_slice %arg10[%dma_start3A_73, %dma_start3A_74] : memref<10240x128xf32, #tpu.memory_space<vmem_shared>> -> memref<10240x128xf32, #tpu.memory_space<vmem_shared>>
        tpu.enqueue_indirect_dma source(%arg6 : memref<64x128xf32, #tpu.memory_space<vmem>>) target(%dma_start3A_75 : memref<10240x128xf32, #tpu.memory_space<vmem_shared>>) offsets(%dma_start3A_72 : memref<64xi32, #tpu.memory_space<vmem>>) semaphore(%arg15 : memref<!tpu.dma_semaphore, #tpu.memory_space<semaphore_mem>>) {add = true}
        %dma_wait3A_76 = arith.constant 2 : i32
        %dma_wait3A_77 = arith.constant 0 : i32
        %dma_wait3A_78 = tpu.memref_slice %arg5[%add3A_35, %dma_wait3A_76, %dma_wait3A_77] : memref<10x8x64xi32, #tpu.memory_space<vmem>> -> memref<1x1x64xi32, #tpu.memory_space<vmem>>
        %dma_wait3A_79 = tpu.memref_squeeze %dma_wait3A_78 : memref<1x1x64xi32, #tpu.memory_space<vmem>> -> memref<64xi32, #tpu.memory_space<vmem>>
        %dma_wait3A_80 = arith.constant 0 : i32
        %dma_wait3A_81 = arith.constant 0 : i32
        %dma_wait3A_82 = tpu.memref_slice %arg2[%dma_wait3A_80, %dma_wait3A_81] : memref<10000x128xf32, #tpu.memory_space<hbm>> -> memref<10000x128xf32, #tpu.memory_space<hbm>>
        tpu.wait_indirect_dma semaphore(%arg12 : memref<!tpu.dma_semaphore, #tpu.memory_space<semaphore_mem>>) src(%dma_wait3A_82 : memref<10000x128xf32, #tpu.memory_space<hbm>>) dst(%arg7 : memref<64x128xf32, #tpu.memory_space<vmem>>)
        %dma_start3A_83 = arith.constant 3 : i32
        %dma_start3A_84 = arith.constant 0 : i32
        %dma_start3A_85 = tpu.memref_slice %arg5[%add3A_35, %dma_start3A_83, %dma_start3A_84] : memref<10x8x64xi32, #tpu.memory_space<vmem>> -> memref<1x1x64xi32, #tpu.memory_space<vmem>>
        %dma_start3A_86 = tpu.memref_squeeze %dma_start3A_85 : memref<1x1x64xi32, #tpu.memory_space<vmem>> -> memref<64xi32, #tpu.memory_space<vmem>>
        %dma_start3A_87 = arith.constant 0 : i32
        %dma_start3A_88 = arith.constant 0 : i32
        %dma_start3A_89 = tpu.memref_slice %arg10[%dma_start3A_87, %dma_start3A_88] : memref<10240x128xf32, #tpu.memory_space<vmem_shared>> -> memref<10240x128xf32, #tpu.memory_space<vmem_shared>>
        tpu.enqueue_indirect_dma source(%arg7 : memref<64x128xf32, #tpu.memory_space<vmem>>) target(%dma_start3A_89 : memref<10240x128xf32, #tpu.memory_space<vmem_shared>>) offsets(%dma_start3A_86 : memref<64xi32, #tpu.memory_space<vmem>>) semaphore(%arg16 : memref<!tpu.dma_semaphore, #tpu.memory_space<semaphore_mem>>) {add = true}
        %dma_wait3A_90 = arith.constant 4 : i32
        %dma_wait3A_91 = arith.constant 0 : i32
        %dma_wait3A_92 = tpu.memref_slice %arg5[%add3A_35, %dma_wait3A_90, %dma_wait3A_91] : memref<10x8x64xi32, #tpu.memory_space<vmem>> -> memref<1x1x64xi32, #tpu.memory_space<vmem>>
        %dma_wait3A_93 = tpu.memref_squeeze %dma_wait3A_92 : memref<1x1x64xi32, #tpu.memory_space<vmem>> -> memref<64xi32, #tpu.memory_space<vmem>>
        %dma_wait3A_94 = arith.constant 0 : i32
        %dma_wait3A_95 = arith.constant 0 : i32
        %dma_wait3A_96 = tpu.memref_slice %arg2[%dma_wait3A_94, %dma_wait3A_95] : memref<10000x128xf32, #tpu.memory_space<hbm>> -> memref<10000x128xf32, #tpu.memory_space<hbm>>
        tpu.wait_indirect_dma semaphore(%arg13 : memref<!tpu.dma_semaphore, #tpu.memory_space<semaphore_mem>>) src(%dma_wait3A_96 : memref<10000x128xf32, #tpu.memory_space<hbm>>) dst(%arg8 : memref<64x128xf32, #tpu.memory_space<vmem>>)
        %dma_start3A_97 = arith.constant 5 : i32
        %dma_start3A_98 = arith.constant 0 : i32
        %dma_start3A_99 = tpu.memref_slice %arg5[%add3A_35, %dma_start3A_97, %dma_start3A_98] : memref<10x8x64xi32, #tpu.memory_space<vmem>> -> memref<1x1x64xi32, #tpu.memory_space<vmem>>
        %dma_start3A_100 = tpu.memref_squeeze %dma_start3A_99 : memref<1x1x64xi32, #tpu.memory_space<vmem>> -> memref<64xi32, #tpu.memory_space<vmem>>
        %dma_start3A_101 = arith.constant 0 : i32
        %dma_start3A_102 = arith.constant 0 : i32
        %dma_start3A_103 = tpu.memref_slice %arg10[%dma_start3A_101, %dma_start3A_102] : memref<10240x128xf32, #tpu.memory_space<vmem_shared>> -> memref<10240x128xf32, #tpu.memory_space<vmem_shared>>
        tpu.enqueue_indirect_dma source(%arg8 : memref<64x128xf32, #tpu.memory_space<vmem>>) target(%dma_start3A_103 : memref<10240x128xf32, #tpu.memory_space<vmem_shared>>) offsets(%dma_start3A_100 : memref<64xi32, #tpu.memory_space<vmem>>) semaphore(%arg17 : memref<!tpu.dma_semaphore, #tpu.memory_space<semaphore_mem>>) {add = true}
        %dma_wait3A_104 = arith.constant 6 : i32
        %dma_wait3A_105 = arith.constant 0 : i32
        %dma_wait3A_106 = tpu.memref_slice %arg5[%add3A_35, %dma_wait3A_104, %dma_wait3A_105] : memref<10x8x64xi32, #tpu.memory_space<vmem>> -> memref<1x1x64xi32, #tpu.memory_space<vmem>>
        %dma_wait3A_107 = tpu.memref_squeeze %dma_wait3A_106 : memref<1x1x64xi32, #tpu.memory_space<vmem>> -> memref<64xi32, #tpu.memory_space<vmem>>
        %dma_wait3A_108 = arith.constant 0 : i32
        %dma_wait3A_109 = arith.constant 0 : i32
        %dma_wait3A_110 = tpu.memref_slice %arg2[%dma_wait3A_108, %dma_wait3A_109] : memref<10000x128xf32, #tpu.memory_space<hbm>> -> memref<10000x128xf32, #tpu.memory_space<hbm>>
        tpu.wait_indirect_dma semaphore(%arg14 : memref<!tpu.dma_semaphore, #tpu.memory_space<semaphore_mem>>) src(%dma_wait3A_110 : memref<10000x128xf32, #tpu.memory_space<hbm>>) dst(%arg9 : memref<64x128xf32, #tpu.memory_space<vmem>>)
        %dma_start3A_111 = arith.constant 7 : i32
        %dma_start3A_112 = arith.constant 0 : i32
        %dma_start3A_113 = tpu.memref_slice %arg5[%add3A_35, %dma_start3A_111, %dma_start3A_112] : memref<10x8x64xi32, #tpu.memory_space<vmem>> -> memref<1x1x64xi32, #tpu.memory_space<vmem>>
        %dma_start3A_114 = tpu.memref_squeeze %dma_start3A_113 : memref<1x1x64xi32, #tpu.memory_space<vmem>> -> memref<64xi32, #tpu.memory_space<vmem>>
        %dma_start3A_115 = arith.constant 0 : i32
        %dma_start3A_116 = arith.constant 0 : i32
        %dma_start3A_117 = tpu.memref_slice %arg10[%dma_start3A_115, %dma_start3A_116] : memref<10240x128xf32, #tpu.memory_space<vmem_shared>> -> memref<10240x128xf32, #tpu.memory_space<vmem_shared>>
        tpu.enqueue_indirect_dma source(%arg9 : memref<64x128xf32, #tpu.memory_space<vmem>>) target(%dma_start3A_117 : memref<10240x128xf32, #tpu.memory_space<vmem_shared>>) offsets(%dma_start3A_114 : memref<64xi32, #tpu.memory_space<vmem>>) semaphore(%arg18 : memref<!tpu.dma_semaphore, #tpu.memory_space<semaphore_mem>>) {add = true}
        %dma_wait3A_118 = arith.constant 1 : i32
        %dma_wait3A_119 = arith.constant 0 : i32
        %dma_wait3A_120 = tpu.memref_slice %arg5[%add3A_35, %dma_wait3A_118, %dma_wait3A_119] : memref<10x8x64xi32, #tpu.memory_space<vmem>> -> memref<1x1x64xi32, #tpu.memory_space<vmem>>
        %dma_wait3A_121 = tpu.memref_squeeze %dma_wait3A_120 : memref<1x1x64xi32, #tpu.memory_space<vmem>> -> memref<64xi32, #tpu.memory_space<vmem>>
        %dma_wait3A_122 = arith.constant 0 : i32
        %dma_wait3A_123 = arith.constant 0 : i32
        %dma_wait3A_124 = tpu.memref_slice %arg10[%dma_wait3A_122, %dma_wait3A_123] : memref<10240x128xf32, #tpu.memory_space<vmem_shared>> -> memref<10240x128xf32, #tpu.memory_space<vmem_shared>>
        tpu.wait_indirect_dma semaphore(%arg15 : memref<!tpu.dma_semaphore, #tpu.memory_space<semaphore_mem>>) src(%arg6 : memref<64x128xf32, #tpu.memory_space<vmem>>) dst(%dma_wait3A_124 : memref<10240x128xf32, #tpu.memory_space<vmem_shared>>)
        %dma_wait3A_125 = arith.constant 3 : i32
        %dma_wait3A_126 = arith.constant 0 : i32
        %dma_wait3A_127 = tpu.memref_slice %arg5[%add3A_35, %dma_wait3A_125, %dma_wait3A_126] : memref<10x8x64xi32, #tpu.memory_space<vmem>> -> memref<1x1x64xi32, #tpu.memory_space<vmem>>
        %dma_wait3A_128 = tpu.memref_squeeze %dma_wait3A_127 : memref<1x1x64xi32, #tpu.memory_space<vmem>> -> memref<64xi32, #tpu.memory_space<vmem>>
        %dma_wait3A_129 = arith.constant 0 : i32
        %dma_wait3A_130 = arith.constant 0 : i32
        %dma_wait3A_131 = tpu.memref_slice %arg10[%dma_wait3A_129, %dma_wait3A_130] : memref<10240x128xf32, #tpu.memory_space<vmem_shared>> -> memref<10240x128xf32, #tpu.memory_space<vmem_shared>>
        tpu.wait_indirect_dma semaphore(%arg16 : memref<!tpu.dma_semaphore, #tpu.memory_space<semaphore_mem>>) src(%arg7 : memref<64x128xf32, #tpu.memory_space<vmem>>) dst(%dma_wait3A_131 : memref<10240x128xf32, #tpu.memory_space<vmem_shared>>)
        %dma_wait3A_132 = arith.constant 5 : i32
        %dma_wait3A_133 = arith.constant 0 : i32
        %dma_wait3A_134 = tpu.memref_slice %arg5[%add3A_35, %dma_wait3A_132, %dma_wait3A_133] : memref<10x8x64xi32, #tpu.memory_space<vmem>> -> memref<1x1x64xi32, #tpu.memory_space<vmem>>
        %dma_wait3A_135 = tpu.memref_squeeze %dma_wait3A_134 : memref<1x1x64xi32, #tpu.memory_space<vmem>> -> memref<64xi32, #tpu.memory_space<vmem>>
        %dma_wait3A_136 = arith.constant 0 : i32
        %dma_wait3A_137 = arith.constant 0 : i32
        %dma_wait3A_138 = tpu.memref_slice %arg10[%dma_wait3A_136, %dma_wait3A_137] : memref<10240x128xf32, #tpu.memory_space<vmem_shared>> -> memref<10240x128xf32, #tpu.memory_space<vmem_shared>>
        tpu.wait_indirect_dma semaphore(%arg17 : memref<!tpu.dma_semaphore, #tpu.memory_space<semaphore_mem>>) src(%arg8 : memref<64x128xf32, #tpu.memory_space<vmem>>) dst(%dma_wait3A_138 : memref<10240x128xf32, #tpu.memory_space<vmem_shared>>)
        %dma_wait3A_139 = arith.constant 7 : i32
        %dma_wait3A_140 = arith.constant 0 : i32
        %dma_wait3A_141 = tpu.memref_slice %arg5[%add3A_35, %dma_wait3A_139, %dma_wait3A_140] : memref<10x8x64xi32, #tpu.memory_space<vmem>> -> memref<1x1x64xi32, #tpu.memory_space<vmem>>
        %dma_wait3A_142 = tpu.memref_squeeze %dma_wait3A_141 : memref<1x1x64xi32, #tpu.memory_space<vmem>> -> memref<64xi32, #tpu.memory_space<vmem>>
        %dma_wait3A_143 = arith.constant 0 : i32
        %dma_wait3A_144 = arith.constant 0 : i32
        %dma_wait3A_145 = tpu.memref_slice %arg10[%dma_wait3A_143, %dma_wait3A_144] : memref<10240x128xf32, #tpu.memory_space<vmem_shared>> -> memref<10240x128xf32, #tpu.memory_space<vmem_shared>>
        tpu.wait_indirect_dma semaphore(%arg18 : memref<!tpu.dma_semaphore, #tpu.memory_space<semaphore_mem>>) src(%arg9 : memref<64x128xf32, #tpu.memory_space<vmem>>) dst(%dma_wait3A_145 : memref<10240x128xf32, #tpu.memory_space<vmem_shared>>)
      }
      %scan3A_30 = arith.constant 10 : i32
    }
    %scan3A_19 = arith.constant 4 : i32
    %barrier3A_20 = arith.constant 0 : index
    tpu.barrier barrier_id(%barrier3A_20)
    "tpu.region"() ({
      %run_scoped3A = tpu.sem_alloc : memref<!tpu.dma_semaphore, #tpu.memory_space<semaphore_mem>>
      %dma_start3A = arith.constant 0 : i32
      %dma_start3A_21 = tpu.memref_slice %arg4[%arg0, %mul3A_8, %dma_start3A] : memref<2x10240x128xf32, #tpu.memory_space<hbm>> -> memref<1x640x128xf32, #tpu.memory_space<hbm>>
      %dma_start3A_22 = tpu.memref_squeeze %dma_start3A_21 : memref<1x640x128xf32, #tpu.memory_space<hbm>> -> memref<640x128xf32, #tpu.memory_space<hbm>>
      %dma_start3A_23 = arith.constant 0 : i32
      %dma_start3A_24 = tpu.memref_slice %arg10[%mul3A_8, %dma_start3A_23] : memref<10240x128xf32, #tpu.memory_space<vmem_shared>> -> memref<640x128xf32, #tpu.memory_space<vmem_shared>>
      tpu.enqueue_dma source(%dma_start3A_24 : memref<640x128xf32, #tpu.memory_space<vmem_shared>>) target(%dma_start3A_22 : memref<640x128xf32, #tpu.memory_space<hbm>>) target_semaphore(%run_scoped3A : memref<!tpu.dma_semaphore, #tpu.memory_space<semaphore_mem>>)
      %dma_wait3A = arith.constant 0 : i32
      %dma_wait3A_25 = tpu.memref_slice %arg4[%arg0, %mul3A_8, %dma_wait3A] : memref<2x10240x128xf32, #tpu.memory_space<hbm>> -> memref<1x640x128xf32, #tpu.memory_space<hbm>>
      %dma_wait3A_26 = tpu.memref_squeeze %dma_wait3A_25 : memref<1x640x128xf32, #tpu.memory_space<hbm>> -> memref<640x128xf32, #tpu.memory_space<hbm>>
      %dma_wait3A_27 = arith.constant 0 : i32
      %dma_wait3A_28 = tpu.memref_slice %arg10[%mul3A_8, %dma_wait3A_27] : memref<10240x128xf32, #tpu.memory_space<vmem_shared>> -> memref<640x128xf32, #tpu.memory_space<vmem_shared>>
      tpu.wait_dma2 semaphore(%run_scoped3A : memref<!tpu.dma_semaphore, #tpu.memory_space<semaphore_mem>>) src(%dma_wait3A_28 : memref<640x128xf32, #tpu.memory_space<vmem_shared>>) dst(%dma_wait3A_26 : memref<640x128xf32, #tpu.memory_space<hbm>>)
      tpu.yield
    }) : () -> ()
    return
  }
}

#map = affine_map<(d0, d1) -> (0, 0)>
#map1 = affine_map<(d0, d1) -> (0, 0, 0, 0, 0)>
#map2 = affine_map<(d0, d1) -> (0, 0, 0)>
module attributes {stable_mosaic.version = 14 : i64} {
  func.func @_sc_body(%arg0: i32, %arg1: i32, %arg2: memref<10000x128xf32, #tpu.memory_space<hbm>>, %arg3: memref<32x4x10x8x64xi32, #tpu.memory_space<hbm>>, %arg4: memref<2x10240x128xf32, #tpu.memory_space<hbm>>, %arg5: memref<10x8x64xi32, #tpu.memory_space<vmem>>, %arg6: memref<64x128xf32, #tpu.memory_space<vmem>>, %arg7: memref<64x128xf32, #tpu.memory_space<vmem>>, %arg8: memref<64x128xf32, #tpu.memory_space<vmem>>, %arg9: memref<64x128xf32, #tpu.memory_space<vmem>>, %arg10: memref<10240x128xf32, #tpu.memory_space<vmem_shared>>, %arg11: memref<!tpu.dma_semaphore, #tpu.memory_space<semaphore_mem>>, %arg12: memref<!tpu.dma_semaphore, #tpu.memory_space<semaphore_mem>>, %arg13: memref<!tpu.dma_semaphore, #tpu.memory_space<semaphore_mem>>, %arg14: memref<!tpu.dma_semaphore, #tpu.memory_space<semaphore_mem>>, %arg15: memref<!tpu.dma_semaphore, #tpu.memory_space<semaphore_mem>>, %arg16: memref<!tpu.dma_semaphore, #tpu.memory_space<semaphore_mem>>, %arg17: memref<!tpu.dma_semaphore, #tpu.memory_space<semaphore_mem>>, %arg18: memref<!tpu.dma_semaphore, #tpu.memory_space<semaphore_mem>>) attributes {dimension_semantics = [#tpu.dimension_semantics<core_parallel>, #tpu.dimension_semantics<subcore_parallel>], iteration_bounds = array<i64: 2, 16>, scalar_prefetch = 0 : i64, scratch_operands = 14 : i64, tpu.core_type = #tpu.core_type<sc_vector_subcore>, window_params = [{transform_indices = #map}, {transform_indices = #map1}, {transform_indices = #map2}]} {
    %mul3A = arith.constant 16 : i32
    %mul3A_0 = arith.muli %arg0, %mul3A : i32
    %add3A = arith.addi %mul3A_0, %arg1 : i32
    %broadcast_in_dim3A = arith.constant 0.000000e+00 : f32
    %broadcast_in_dim3A_1 = vector.broadcast %broadcast_in_dim3A : f32 to vector<16xf32>
    %scan3A = arith.constant 0 : i32
    %scan3A_2 = arith.constant 0 : i32
    %scan3A_3 = arith.constant 64 : i32
    %scan3A_4 = arith.addi %scan3A_2, %scan3A_3 : i32
    %scan3A_5 = arith.constant 1 : i32
    scf.for %scan3A_21 = %scan3A_2 to %scan3A_4 step %scan3A_5  : i32 {
      %scan3A_22 = arith.constant 0 : i32
      %scan3A_23 = arith.constant 8 : i32
      %scan3A_24 = arith.addi %scan3A_22, %scan3A_23 : i32
      %scan3A_25 = arith.constant 1 : i32
      scf.for %scan3A_27 = %scan3A_22 to %scan3A_24 step %scan3A_25  : i32 {
        %mul3A_28 = arith.constant 16 : i32
        %mul3A_29 = arith.muli %scan3A_27, %mul3A_28 : i32
        %swap3A = arith.index_cast %scan3A_21 : i32 to index
        %swap3A_30 = arith.index_cast %mul3A_29 : i32 to index
        %swap3A_31 = tpu.vector_load %arg6[%swap3A, %swap3A_30] {strides = array<i32>} : memref<64x128xf32, #tpu.memory_space<vmem>>, vector<1x16xf32>,
        %swap3A_32 = vector.shape_cast %swap3A_31 : vector<1x16xf32> to vector<16xf32>
        %swap3A_33 = vector.shape_cast %broadcast_in_dim3A_1 : vector<16xf32> to vector<1x16xf32>
        tpu.vector_store %arg6[%swap3A, %swap3A_30], %swap3A_33 {strides = array<i32>} : memref<64x128xf32, #tpu.memory_space<vmem>>, vector<1x16xf32>,
      }
      %scan3A_26 = arith.constant 8 : i32
    }
    %scan3A_6 = arith.constant 64 : i32
    %mul3A_7 = arith.constant 640 : i32
    %mul3A_8 = arith.muli %arg1, %mul3A_7 : i32
    %scan3A_9 = arith.constant 0 : i32
    %scan3A_10 = arith.constant 0 : i32
    %scan3A_11 = arith.constant 10 : i32
    %scan3A_12 = arith.addi %scan3A_10, %scan3A_11 : i32
    %scan3A_13 = arith.constant 1 : i32
    scf.for %scan3A_21 = %scan3A_10 to %scan3A_12 step %scan3A_13  : i32 {
      %mul3A_22 = arith.constant 64 : i32
      %mul3A_23 = arith.muli %scan3A_21, %mul3A_22 : i32
      %add3A_24 = arith.addi %mul3A_8, %mul3A_23 : i32
      "tpu.region"() ({
        %run_scoped3A = tpu.sem_alloc : memref<!tpu.dma_semaphore, #tpu.memory_space<semaphore_mem>>
        %dma_start3A = arith.constant 0 : i32
        %dma_start3A_25 = tpu.memref_slice %arg10[%add3A_24, %dma_start3A] : memref<10240x128xf32, #tpu.memory_space<vmem_shared>> -> memref<64x128xf32, #tpu.memory_space<vmem_shared>>
        %dma_start3A_26 = arith.constant 0 : i32
        %dma_start3A_27 = tpu.memref_slice %arg10[%add3A_24, %dma_start3A_26] : memref<10240x128xf32, #tpu.memory_space<vmem_shared>> -> memref<64x128xf32, #tpu.memory_space<vmem_shared>>
        tpu.enqueue_dma source(%arg6 : memref<64x128xf32, #tpu.memory_space<vmem>>) target(%dma_start3A_27 : memref<64x128xf32, #tpu.memory_space<vmem_shared>>) target_semaphore(%run_scoped3A : memref<!tpu.dma_semaphore, #tpu.memory_space<semaphore_mem>>)
        %dma_wait3A = arith.constant 0 : i32
        %dma_wait3A_28 = tpu.memref_slice %arg10[%add3A_24, %dma_wait3A] : memref<10240x128xf32, #tpu.memory_space<vmem_shared>> -> memref<64x128xf32, #tpu.memory_space<vmem_shared>>
        %dma_wait3A_29 = arith.constant 0 : i32
        %dma_wait3A_30 = tpu.memref_slice %arg10[%add3A_24, %dma_wait3A_29] : memref<10240x128xf32, #tpu.memory_space<vmem_shared>> -> memref<64x128xf32, #tpu.memory_space<vmem_shared>>
        tpu.wait_dma2 semaphore(%run_scoped3A : memref<!tpu.dma_semaphore, #tpu.memory_space<semaphore_mem>>) src(%arg6 : memref<64x128xf32, #tpu.memory_space<vmem>>) dst(%dma_wait3A_30 : memref<64x128xf32, #tpu.memory_space<vmem_shared>>)
        tpu.yield
      }) : () -> ()
    }
    %scan3A_14 = arith.constant 10 : i32
    %barrier3A = arith.constant 0 : index
    tpu.barrier barrier_id(%barrier3A)
    %scan3A_15 = arith.constant 0 : i32
    %scan3A_16 = arith.constant 4 : i32
    %scan3A_17 = arith.addi %scan3A_15, %scan3A_16 : i32
    %scan3A_18 = arith.constant 1 : i32
    scf.for %scan3A_21 = %scan3A_15 to %scan3A_17 step %scan3A_18  : i32 {
      %mul3A_22 = arith.constant 1 : i32
      %mul3A_23 = arith.muli %scan3A_21, %mul3A_22 : i32
      %add3A_24 = arith.constant 0 : i32
      %add3A_25 = arith.addi %add3A_24, %mul3A_23 : i32
      "tpu.region"() ({
        %run_scoped3A = tpu.sem_alloc : memref<!tpu.dma_semaphore, #tpu.memory_space<semaphore_mem>>
        %dma_start3A = arith.constant 0 : i32
        %dma_start3A_31 = arith.constant 0 : i32
        %dma_start3A_32 = arith.constant 0 : i32
        %dma_start3A_33 = tpu.memref_slice %arg3[%add3A, %add3A_25, %dma_start3A, %dma_start3A_31, %dma_start3A_32] : memref<32x4x10x8x64xi32, #tpu.memory_space<hbm>> -> memref<1x1x10x8x64xi32, #tpu.memory_space<hbm>>
        %dma_start3A_34 = tpu.memref_squeeze %dma_start3A_33 : memref<1x1x10x8x64xi32, #tpu.memory_space<hbm>> -> memref<10x8x64xi32, #tpu.memory_space<hbm>>
        %dma_start3A_35 = arith.constant 0 : i32
        %dma_start3A_36 = arith.constant 0 : i32
        %dma_start3A_37 = arith.constant 0 : i32
        %dma_start3A_38 = tpu.memref_slice %arg3[%add3A, %add3A_25, %dma_start3A_35, %dma_start3A_36, %dma_start3A_37] : memref<32x4x10x8x64xi32, #tpu.memory_space<hbm>> -> memref<1x1x10x8x64xi32, #tpu.memory_space<hbm>>
        %dma_start3A_39 = tpu.memref_squeeze %dma_start3A_38 : memref<1x1x10x8x64xi32, #tpu.memory_space<hbm>> -> memref<10x8x64xi32, #tpu.memory_space<hbm>>
        tpu.enqueue_dma source(%dma_start3A_39 : memref<10x8x64xi32, #tpu.memory_space<hbm>>) target(%arg5 : memref<10x8x64xi32, #tpu.memory_space<vmem>>) target_semaphore(%run_scoped3A : memref<!tpu.dma_semaphore, #tpu.memory_space<semaphore_mem>>)
        %dma_wait3A = arith.constant 0 : i32
        %dma_wait3A_40 = arith.constant 0 : i32
        %dma_wait3A_41 = arith.constant 0 : i32
        %dma_wait3A_42 = tpu.memref_slice %arg3[%add3A, %add3A_25, %dma_wait3A, %dma_wait3A_40, %dma_wait3A_41] : memref<32x4x10x8x64xi32, #tpu.memory_space<hbm>> -> memref<1x1x10x8x64xi32, #tpu.memory_space<hbm>>
        %dma_wait3A_43 = tpu.memref_squeeze %dma_wait3A_42 : memref<1x1x10x8x64xi32, #tpu.memory_space<hbm>> -> memref<10x8x64xi32, #tpu.memory_space<hbm>>
        %dma_wait3A_44 = arith.constant 0 : i32
        %dma_wait3A_45 = arith.constant 0 : i32
        %dma_wait3A_46 = arith.constant 0 : i32
        %dma_wait3A_47 = tpu.memref_slice %arg3[%add3A, %add3A_25, %dma_wait3A_44, %dma_wait3A_45, %dma_wait3A_46] : memref<32x4x10x8x64xi32, #tpu.memory_space<hbm>> -> memref<1x1x10x8x64xi32, #tpu.memory_space<hbm>>
        %dma_wait3A_48 = tpu.memref_squeeze %dma_wait3A_47 : memref<1x1x10x8x64xi32, #tpu.memory_space<hbm>> -> memref<10x8x64xi32, #tpu.memory_space<hbm>>
        tpu.wait_dma2 semaphore(%run_scoped3A : memref<!tpu.dma_semaphore, #tpu.memory_space<semaphore_mem>>) src(%dma_wait3A_48 : memref<10x8x64xi32, #tpu.memory_space<hbm>>) dst(%arg5 : memref<10x8x64xi32, #tpu.memory_space<vmem>>)
        tpu.yield
      }) : () -> ()
      %scan3A_26 = arith.constant 0 : i32
      %scan3A_27 = arith.constant 10 : i32
      %scan3A_28 = arith.addi %scan3A_26, %scan3A_27 : i32
      %scan3A_29 = arith.constant 1 : i32
      scf.for %scan3A_31 = %scan3A_26 to %scan3A_28 step %scan3A_29  : i32 {
        %mul3A_32 = arith.constant 1 : i32
        %mul3A_33 = arith.muli %scan3A_31, %mul3A_32 : i32
        %add3A_34 = arith.constant 0 : i32
        %add3A_35 = arith.addi %add3A_34, %mul3A_33 : i32
        %dma_start3A = arith.constant 0 : i32
        %dma_start3A_36 = arith.constant 0 : i32
        %dma_start3A_37 = tpu.memref_slice %arg5[%add3A_35, %dma_start3A, %dma_start3A_36] : memref<10x8x64xi32, #tpu.memory_space<vmem>> -> memref<1x1x64xi32, #tpu.memory_space<vmem>>
        %dma_start3A_38 = tpu.memref_squeeze %dma_start3A_37 : memref<1x1x64xi32, #tpu.memory_space<vmem>> -> memref<64xi32, #tpu.memory_space<vmem>>
        %dma_start3A_39 = arith.constant 0 : i32
        %dma_start3A_40 = arith.constant 0 : i32
        %dma_start3A_41 = tpu.memref_slice %arg2[%dma_start3A_39, %dma_start3A_40] : memref<10000x128xf32, #tpu.memory_space<hbm>> -> memref<10000x128xf32, #tpu.memory_space<hbm>>
        tpu.enqueue_indirect_dma source(%dma_start3A_41 : memref<10000x128xf32, #tpu.memory_space<hbm>>) target(%arg6 : memref<64x128xf32, #tpu.memory_space<vmem>>) offsets(%dma_start3A_38 : memref<64xi32, #tpu.memory_space<vmem>>) semaphore(%arg11 : memref<!tpu.dma_semaphore, #tpu.memory_space<semaphore_mem>>)
        %dma_start3A_42 = arith.constant 2 : i32
        %dma_start3A_43 = arith.constant 0 : i32
        %dma_start3A_44 = tpu.memref_slice %arg5[%add3A_35, %dma_start3A_42, %dma_start3A_43] : memref<10x8x64xi32, #tpu.memory_space<vmem>> -> memref<1x1x64xi32, #tpu.memory_space<vmem>>
        %dma_start3A_45 = tpu.memref_squeeze %dma_start3A_44 : memref<1x1x64xi32, #tpu.memory_space<vmem>> -> memref<64xi32, #tpu.memory_space<vmem>>
        %dma_start3A_46 = arith.constant 0 : i32
        %dma_start3A_47 = arith.constant 0 : i32
        %dma_start3A_48 = tpu.memref_slice %arg2[%dma_start3A_46, %dma_start3A_47] : memref<10000x128xf32, #tpu.memory_space<hbm>> -> memref<10000x128xf32, #tpu.memory_space<hbm>>
        tpu.enqueue_indirect_dma source(%dma_start3A_48 : memref<10000x128xf32, #tpu.memory_space<hbm>>) target(%arg7 : memref<64x128xf32, #tpu.memory_space<vmem>>) offsets(%dma_start3A_45 : memref<64xi32, #tpu.memory_space<vmem>>) semaphore(%arg12 : memref<!tpu.dma_semaphore, #tpu.memory_space<semaphore_mem>>)
        %dma_start3A_49 = arith.constant 4 : i32
        %dma_start3A_50 = arith.constant 0 : i32
        %dma_start3A_51 = tpu.memref_slice %arg5[%add3A_35, %dma_start3A_49, %dma_start3A_50] : memref<10x8x64xi32, #tpu.memory_space<vmem>> -> memref<1x1x64xi32, #tpu.memory_space<vmem>>
        %dma_start3A_52 = tpu.memref_squeeze %dma_start3A_51 : memref<1x1x64xi32, #tpu.memory_space<vmem>> -> memref<64xi32, #tpu.memory_space<vmem>>
        %dma_start3A_53 = arith.constant 0 : i32
        %dma_start3A_54 = arith.constant 0 : i32
        %dma_start3A_55 = tpu.memref_slice %arg2[%dma_start3A_53, %dma_start3A_54] : memref<10000x128xf32, #tpu.memory_space<hbm>> -> memref<10000x128xf32, #tpu.memory_space<hbm>>
        tpu.enqueue_indirect_dma source(%dma_start3A_55 : memref<10000x128xf32, #tpu.memory_space<hbm>>) target(%arg8 : memref<64x128xf32, #tpu.memory_space<vmem>>) offsets(%dma_start3A_52 : memref<64xi32, #tpu.memory_space<vmem>>) semaphore(%arg13 : memref<!tpu.dma_semaphore, #tpu.memory_space<semaphore_mem>>)
        %dma_start3A_56 = arith.constant 6 : i32
        %dma_start3A_57 = arith.constant 0 : i32
        %dma_start3A_58 = tpu.memref_slice %arg5[%add3A_35, %dma_start3A_56, %dma_start3A_57] : memref<10x8x64xi32, #tpu.memory_space<vmem>> -> memref<1x1x64xi32, #tpu.memory_space<vmem>>
        %dma_start3A_59 = tpu.memref_squeeze %dma_start3A_58 : memref<1x1x64xi32, #tpu.memory_space<vmem>> -> memref<64xi32, #tpu.memory_space<vmem>>
        %dma_start3A_60 = arith.constant 0 : i32
        %dma_start3A_61 = arith.constant 0 : i32
        %dma_start3A_62 = tpu.memref_slice %arg2[%dma_start3A_60, %dma_start3A_61] : memref<10000x128xf32, #tpu.memory_space<hbm>> -> memref<10000x128xf32, #tpu.memory_space<hbm>>
        tpu.enqueue_indirect_dma source(%dma_start3A_62 : memref<10000x128xf32, #tpu.memory_space<hbm>>) target(%arg9 : memref<64x128xf32, #tpu.memory_space<vmem>>) offsets(%dma_start3A_59 : memref<64xi32, #tpu.memory_space<vmem>>) semaphore(%arg14 : memref<!tpu.dma_semaphore, #tpu.memory_space<semaphore_mem>>)
        %dma_wait3A = arith.constant 0 : i32
        %dma_wait3A_63 = arith.constant 0 : i32
        %dma_wait3A_64 = tpu.memref_slice %arg5[%add3A_35, %dma_wait3A, %dma_wait3A_63] : memref<10x8x64xi32, #tpu.memory_space<vmem>> -> memref<1x1x64xi32, #tpu.memory_space<vmem>>
        %dma_wait3A_65 = tpu.memref_squeeze %dma_wait3A_64 : memref<1x1x64xi32, #tpu.memory_space<vmem>> -> memref<64xi32, #tpu.memory_space<vmem>>
        %dma_wait3A_66 = arith.constant 0 : i32
        %dma_wait3A_67 = arith.constant 0 : i32
        %dma_wait3A_68 = tpu.memref_slice %arg2[%dma_wait3A_66, %dma_wait3A_67] : memref<10000x128xf32, #tpu.memory_space<hbm>> -> memref<10000x128xf32, #tpu.memory_space<hbm>>
        tpu.wait_indirect_dma semaphore(%arg11 : memref<!tpu.dma_semaphore, #tpu.memory_space<semaphore_mem>>) src(%dma_wait3A_68 : memref<10000x128xf32, #tpu.memory_space<hbm>>) dst(%arg6 : memref<64x128xf32, #tpu.memory_space<vmem>>)
        %dma_start3A_69 = arith.constant 1 : i32
        %dma_start3A_70 = arith.constant 0 : i32
        %dma_start3A_71 = tpu.memref_slice %arg5[%add3A_35, %dma_start3A_69, %dma_start3A_70] : memref<10x8x64xi32, #tpu.memory_space<vmem>> -> memref<1x1x64xi32, #tpu.memory_space<vmem>>
        %dma_start3A_72 = tpu.memref_squeeze %dma_start3A_71 : memref<1x1x64xi32, #tpu.memory_space<vmem>> -> memref<64xi32, #tpu.memory_space<vmem>>
        %dma_start3A_73 = arith.constant 0 : i32
        %dma_start3A_74 = arith.constant 0 : i32
        %dma_start3A_75 = tpu.memref_slice %arg10[%dma_start3A_73, %dma_start3A_74] : memref<10240x128xf32, #tpu.memory_space<vmem_shared>> -> memref<10240x128xf32, #tpu.memory_space<vmem_shared>>
        tpu.enqueue_indirect_dma source(%arg6 : memref<64x128xf32, #tpu.memory_space<vmem>>) target(%dma_start3A_75 : memref<10240x128xf32, #tpu.memory_space<vmem_shared>>) offsets(%dma_start3A_72 : memref<64xi32, #tpu.memory_space<vmem>>) semaphore(%arg15 : memref<!tpu.dma_semaphore, #tpu.memory_space<semaphore_mem>>) {add = true}
        %dma_wait3A_76 = arith.constant 2 : i32
        %dma_wait3A_77 = arith.constant 0 : i32
        %dma_wait3A_78 = tpu.memref_slice %arg5[%add3A_35, %dma_wait3A_76, %dma_wait3A_77] : memref<10x8x64xi32, #tpu.memory_space<vmem>> -> memref<1x1x64xi32, #tpu.memory_space<vmem>>
        %dma_wait3A_79 = tpu.memref_squeeze %dma_wait3A_78 : memref<1x1x64xi32, #tpu.memory_space<vmem>> -> memref<64xi32, #tpu.memory_space<vmem>>
        %dma_wait3A_80 = arith.constant 0 : i32
        %dma_wait3A_81 = arith.constant 0 : i32
        %dma_wait3A_82 = tpu.memref_slice %arg2[%dma_wait3A_80, %dma_wait3A_81] : memref<10000x128xf32, #tpu.memory_space<hbm>> -> memref<10000x128xf32, #tpu.memory_space<hbm>>
        tpu.wait_indirect_dma semaphore(%arg12 : memref<!tpu.dma_semaphore, #tpu.memory_space<semaphore_mem>>) src(%dma_wait3A_82 : memref<10000x128xf32, #tpu.memory_space<hbm>>) dst(%arg7 : memref<64x128xf32, #tpu.memory_space<vmem>>)
        %dma_start3A_83 = arith.constant 3 : i32
        %dma_start3A_84 = arith.constant 0 : i32
        %dma_start3A_85 = tpu.memref_slice %arg5[%add3A_35, %dma_start3A_83, %dma_start3A_84] : memref<10x8x64xi32, #tpu.memory_space<vmem>> -> memref<1x1x64xi32, #tpu.memory_space<vmem>>
        %dma_start3A_86 = tpu.memref_squeeze %dma_start3A_85 : memref<1x1x64xi32, #tpu.memory_space<vmem>> -> memref<64xi32, #tpu.memory_space<vmem>>
        %dma_start3A_87 = arith.constant 0 : i32
        %dma_start3A_88 = arith.constant 0 : i32
        %dma_start3A_89 = tpu.memref_slice %arg10[%dma_start3A_87, %dma_start3A_88] : memref<10240x128xf32, #tpu.memory_space<vmem_shared>> -> memref<10240x128xf32, #tpu.memory_space<vmem_shared>>
        tpu.enqueue_indirect_dma source(%arg7 : memref<64x128xf32, #tpu.memory_space<vmem>>) target(%dma_start3A_89 : memref<10240x128xf32, #tpu.memory_space<vmem_shared>>) offsets(%dma_start3A_86 : memref<64xi32, #tpu.memory_space<vmem>>) semaphore(%arg16 : memref<!tpu.dma_semaphore, #tpu.memory_space<semaphore_mem>>) {add = true}
        %dma_wait3A_90 = arith.constant 4 : i32
        %dma_wait3A_91 = arith.constant 0 : i32
        %dma_wait3A_92 = tpu.memref_slice %arg5[%add3A_35, %dma_wait3A_90, %dma_wait3A_91] : memref<10x8x64xi32, #tpu.memory_space<vmem>> -> memref<1x1x64xi32, #tpu.memory_space<vmem>>
        %dma_wait3A_93 = tpu.memref_squeeze %dma_wait3A_92 : memref<1x1x64xi32, #tpu.memory_space<vmem>> -> memref<64xi32, #tpu.memory_space<vmem>>
        %dma_wait3A_94 = arith.constant 0 : i32
        %dma_wait3A_95 = arith.constant 0 : i32
        %dma_wait3A_96 = tpu.memref_slice %arg2[%dma_wait3A_94, %dma_wait3A_95] : memref<10000x128xf32, #tpu.memory_space<hbm>> -> memref<10000x128xf32, #tpu.memory_space<hbm>>
        tpu.wait_indirect_dma semaphore(%arg13 : memref<!tpu.dma_semaphore, #tpu.memory_space<semaphore_mem>>) src(%dma_wait3A_96 : memref<10000x128xf32, #tpu.memory_space<hbm>>) dst(%arg8 : memref<64x128xf32, #tpu.memory_space<vmem>>)
        %dma_start3A_97 = arith.constant 5 : i32
        %dma_start3A_98 = arith.constant 0 : i32
        %dma_start3A_99 = tpu.memref_slice %arg5[%add3A_35, %dma_start3A_97, %dma_start3A_98] : memref<10x8x64xi32, #tpu.memory_space<vmem>> -> memref<1x1x64xi32, #tpu.memory_space<vmem>>
        %dma_start3A_100 = tpu.memref_squeeze %dma_start3A_99 : memref<1x1x64xi32, #tpu.memory_space<vmem>> -> memref<64xi32, #tpu.memory_space<vmem>>
        %dma_start3A_101 = arith.constant 0 : i32
        %dma_start3A_102 = arith.constant 0 : i32
        %dma_start3A_103 = tpu.memref_slice %arg10[%dma_start3A_101, %dma_start3A_102] : memref<10240x128xf32, #tpu.memory_space<vmem_shared>> -> memref<10240x128xf32, #tpu.memory_space<vmem_shared>>
        tpu.enqueue_indirect_dma source(%arg8 : memref<64x128xf32, #tpu.memory_space<vmem>>) target(%dma_start3A_103 : memref<10240x128xf32, #tpu.memory_space<vmem_shared>>) offsets(%dma_start3A_100 : memref<64xi32, #tpu.memory_space<vmem>>) semaphore(%arg17 : memref<!tpu.dma_semaphore, #tpu.memory_space<semaphore_mem>>) {add = true}
        %dma_wait3A_104 = arith.constant 6 : i32
        %dma_wait3A_105 = arith.constant 0 : i32
        %dma_wait3A_106 = tpu.memref_slice %arg5[%add3A_35, %dma_wait3A_104, %dma_wait3A_105] : memref<10x8x64xi32, #tpu.memory_space<vmem>> -> memref<1x1x64xi32, #tpu.memory_space<vmem>>
        %dma_wait3A_107 = tpu.memref_squeeze %dma_wait3A_106 : memref<1x1x64xi32, #tpu.memory_space<vmem>> -> memref<64xi32, #tpu.memory_space<vmem>>
        %dma_wait3A_108 = arith.constant 0 : i32
        %dma_wait3A_109 = arith.constant 0 : i32
        %dma_wait3A_110 = tpu.memref_slice %arg2[%dma_wait3A_108, %dma_wait3A_109] : memref<10000x128xf32, #tpu.memory_space<hbm>> -> memref<10000x128xf32, #tpu.memory_space<hbm>>
        tpu.wait_indirect_dma semaphore(%arg14 : memref<!tpu.dma_semaphore, #tpu.memory_space<semaphore_mem>>) src(%dma_wait3A_110 : memref<10000x128xf32, #tpu.memory_space<hbm>>) dst(%arg9 : memref<64x128xf32, #tpu.memory_space<vmem>>)
        %dma_start3A_111 = arith.constant 7 : i32
        %dma_start3A_112 = arith.constant 0 : i32
        %dma_start3A_113 = tpu.memref_slice %arg5[%add3A_35, %dma_start3A_111, %dma_start3A_112] : memref<10x8x64xi32, #tpu.memory_space<vmem>> -> memref<1x1x64xi32, #tpu.memory_space<vmem>>
        %dma_start3A_114 = tpu.memref_squeeze %dma_start3A_113 : memref<1x1x64xi32, #tpu.memory_space<vmem>> -> memref<64xi32, #tpu.memory_space<vmem>>
        %dma_start3A_115 = arith.constant 0 : i32
        %dma_start3A_116 = arith.constant 0 : i32
        %dma_start3A_117 = tpu.memref_slice %arg10[%dma_start3A_115, %dma_start3A_116] : memref<10240x128xf32, #tpu.memory_space<vmem_shared>> -> memref<10240x128xf32, #tpu.memory_space<vmem_shared>>
        tpu.enqueue_indirect_dma source(%arg9 : memref<64x128xf32, #tpu.memory_space<vmem>>) target(%dma_start3A_117 : memref<10240x128xf32, #tpu.memory_space<vmem_shared>>) offsets(%dma_start3A_114 : memref<64xi32, #tpu.memory_space<vmem>>) semaphore(%arg18 : memref<!tpu.dma_semaphore, #tpu.memory_space<semaphore_mem>>) {add = true}
        %dma_wait3A_118 = arith.constant 1 : i32
        %dma_wait3A_119 = arith.constant 0 : i32
        %dma_wait3A_120 = tpu.memref_slice %arg5[%add3A_35, %dma_wait3A_118, %dma_wait3A_119] : memref<10x8x64xi32, #tpu.memory_space<vmem>> -> memref<1x1x64xi32, #tpu.memory_space<vmem>>
        %dma_wait3A_121 = tpu.memref_squeeze %dma_wait3A_120 : memref<1x1x64xi32, #tpu.memory_space<vmem>> -> memref<64xi32, #tpu.memory_space<vmem>>
        %dma_wait3A_122 = arith.constant 0 : i32
        %dma_wait3A_123 = arith.constant 0 : i32
        %dma_wait3A_124 = tpu.memref_slice %arg10[%dma_wait3A_122, %dma_wait3A_123] : memref<10240x128xf32, #tpu.memory_space<vmem_shared>> -> memref<10240x128xf32, #tpu.memory_space<vmem_shared>>
        tpu.wait_indirect_dma semaphore(%arg15 : memref<!tpu.dma_semaphore, #tpu.memory_space<semaphore_mem>>) src(%arg6 : memref<64x128xf32, #tpu.memory_space<vmem>>) dst(%dma_wait3A_124 : memref<10240x128xf32, #tpu.memory_space<vmem_shared>>)
        %dma_wait3A_125 = arith.constant 3 : i32
        %dma_wait3A_126 = arith.constant 0 : i32
        %dma_wait3A_127 = tpu.memref_slice %arg5[%add3A_35, %dma_wait3A_125, %dma_wait3A_126] : memref<10x8x64xi32, #tpu.memory_space<vmem>> -> memref<1x1x64xi32, #tpu.memory_space<vmem>>
        %dma_wait3A_128 = tpu.memref_squeeze %dma_wait3A_127 : memref<1x1x64xi32, #tpu.memory_space<vmem>> -> memref<64xi32, #tpu.memory_space<vmem>>
        %dma_wait3A_129 = arith.constant 0 : i32
        %dma_wait3A_130 = arith.constant 0 : i32
        %dma_wait3A_131 = tpu.memref_slice %arg10[%dma_wait3A_129, %dma_wait3A_130] : memref<10240x128xf32, #tpu.memory_space<vmem_shared>> -> memref<10240x128xf32, #tpu.memory_space<vmem_shared>>
        tpu.wait_indirect_dma semaphore(%arg16 : memref<!tpu.dma_semaphore, #tpu.memory_space<semaphore_mem>>) src(%arg7 : memref<64x128xf32, #tpu.memory_space<vmem>>) dst(%dma_wait3A_131 : memref<10240x128xf32, #tpu.memory_space<vmem_shared>>)
        %dma_wait3A_132 = arith.constant 5 : i32
        %dma_wait3A_133 = arith.constant 0 : i32
        %dma_wait3A_134 = tpu.memref_slice %arg5[%add3A_35, %dma_wait3A_132, %dma_wait3A_133] : memref<10x8x64xi32, #tpu.memory_space<vmem>> -> memref<1x1x64xi32, #tpu.memory_space<vmem>>
        %dma_wait3A_135 = tpu.memref_squeeze %dma_wait3A_134 : memref<1x1x64xi32, #tpu.memory_space<vmem>> -> memref<64xi32, #tpu.memory_space<vmem>>
        %dma_wait3A_136 = arith.constant 0 : i32
        %dma_wait3A_137 = arith.constant 0 : i32
        %dma_wait3A_138 = tpu.memref_slice %arg10[%dma_wait3A_136, %dma_wait3A_137] : memref<10240x128xf32, #tpu.memory_space<vmem_shared>> -> memref<10240x128xf32, #tpu.memory_space<vmem_shared>>
        tpu.wait_indirect_dma semaphore(%arg17 : memref<!tpu.dma_semaphore, #tpu.memory_space<semaphore_mem>>) src(%arg8 : memref<64x128xf32, #tpu.memory_space<vmem>>) dst(%dma_wait3A_138 : memref<10240x128xf32, #tpu.memory_space<vmem_shared>>)
        %dma_wait3A_139 = arith.constant 7 : i32
        %dma_wait3A_140 = arith.constant 0 : i32
        %dma_wait3A_141 = tpu.memref_slice %arg5[%add3A_35, %dma_wait3A_139, %dma_wait3A_140] : memref<10x8x64xi32, #tpu.memory_space<vmem>> -> memref<1x1x64xi32, #tpu.memory_space<vmem>>
        %dma_wait3A_142 = tpu.memref_squeeze %dma_wait3A_141 : memref<1x1x64xi32, #tpu.memory_space<vmem>> -> memref<64xi32, #tpu.memory_space<vmem>>
        %dma_wait3A_143 = arith.constant 0 : i32
        %dma_wait3A_144 = arith.constant 0 : i32
        %dma_wait3A_145 = tpu.memref_slice %arg10[%dma_wait3A_143, %dma_wait3A_144] : memref<10240x128xf32, #tpu.memory_space<vmem_shared>> -> memref<10240x128xf32, #tpu.memory_space<vmem_shared>>
        tpu.wait_indirect_dma semaphore(%arg18 : memref<!tpu.dma_semaphore, #tpu.memory_space<semaphore_mem>>) src(%arg9 : memref<64x128xf32, #tpu.memory_space<vmem>>) dst(%dma_wait3A_145 : memref<10240x128xf32, #tpu.memory_space<vmem_shared>>)
      }
      %scan3A_30 = arith.constant 10 : i32
    }
    %scan3A_19 = arith.constant 4 : i32
    %barrier3A_20 = arith.constant 0 : index
    tpu.barrier barrier_id(%barrier3A_20)
    "tpu.region"() ({
      %run_scoped3A = tpu.sem_alloc : memref<!tpu.dma_semaphore, #tpu.memory_space<semaphore_mem>>
      %dma_start3A = arith.constant 0 : i32
      %dma_start3A_21 = tpu.memref_slice %arg4[%arg0, %mul3A_8, %dma_start3A] : memref<2x10240x128xf32, #tpu.memory_space<hbm>> -> memref<1x640x128xf32, #tpu.memory_space<hbm>>
      %dma_start3A_22 = tpu.memref_squeeze %dma_start3A_21 : memref<1x640x128xf32, #tpu.memory_space<hbm>> -> memref<640x128xf32, #tpu.memory_space<hbm>>
      %dma_start3A_23 = arith.constant 0 : i32
      %dma_start3A_24 = tpu.memref_slice %arg10[%mul3A_8, %dma_start3A_23] : memref<10240x128xf32, #tpu.memory_space<vmem_shared>> -> memref<640x128xf32, #tpu.memory_space<vmem_shared>>
      tpu.enqueue_dma source(%dma_start3A_24 : memref<640x128xf32, #tpu.memory_space<vmem_shared>>) target(%dma_start3A_22 : memref<640x128xf32, #tpu.memory_space<hbm>>) target_semaphore(%run_scoped3A : memref<!tpu.dma_semaphore, #tpu.memory_space<semaphore_mem>>)
      %dma_wait3A = arith.constant 0 : i32
      %dma_wait3A_25 = tpu.memref_slice %arg4[%arg0, %mul3A_8, %dma_wait3A] : memref<2x10240x128xf32, #tpu.memory_space<hbm>> -> memref<1x640x128xf32, #tpu.memory_space<hbm>>
      %dma_wait3A_26 = tpu.memref_squeeze %dma_wait3A_25 : memref<1x640x128xf32, #tpu.memory_space<hbm>> -> memref<640x128xf32, #tpu.memory_space<hbm>>
      %dma_wait3A_27 = arith.constant 0 : i32
      %dma_wait3A_28 = tpu.memref_slice %arg10[%mul3A_8, %dma_wait3A_27] : memref<10240x128xf32, #tpu.memory_space<vmem_shared>> -> memref<640x128xf32, #tpu.memory_space<vmem_shared>>
      tpu.wait_dma2 semaphore(%run_scoped3A : memref<!tpu.dma_semaphore, #tpu.memory_space<semaphore_mem>>) src(%dma_wait3A_28 : memref<640x128xf32, #tpu.memory_space<vmem_shared>>) dst(%dma_wait3A_26 : memref<640x128xf32, #tpu.memory_space<hbm>>)
      tpu.yield
    }) : () -> ()
    return
  }
}

#map = affine_map<(d0, d1) -> (0, 0, 0, 0)>
#map1 = affine_map<(d0, d1) -> (0, 0, 0)>
module attributes {stable_mosaic.version = 14 : i64} {
  func.func @_sc_body_count(%arg0: i32, %arg1: i32, %arg2: memref<2x32x125x80xi32, #tpu.memory_space<hbm>>, %arg3: memref<2x10240x128xf32, #tpu.memory_space<hbm>>, %arg4: memref<125x80xi32, #tpu.memory_space<vmem>>, %arg5: memref<80x128xf32, #tpu.memory_space<vmem>>, %arg6: memref<80x128xf32, #tpu.memory_space<vmem>>, %arg7: memref<10240x128xf32, #tpu.memory_space<vmem_shared>>) attributes {dimension_semantics = [#tpu.dimension_semantics<core_parallel>, #tpu.dimension_semantics<subcore_parallel>], iteration_bounds = array<i64: 2, 16>, scalar_prefetch = 0 : i64, scratch_operands = 4 : i64, tpu.core_type = #tpu.core_type<sc_vector_subcore>, window_params = [{transform_indices = #map}, {transform_indices = #map1}]} {
    %mul3A = arith.constant 16 : i32
    %mul3A_0 = arith.muli %arg0, %mul3A : i32
    %add3A = arith.addi %mul3A_0, %arg1 : i32
    %run_scoped3A = arith.constant 1 : i32
    "tpu.region"() ({
      %run_scoped3A_30 = tpu.sem_alloc : memref<!tpu.dma_semaphore, #tpu.memory_space<semaphore_mem>>
      %dma_start3A = arith.constant 0 : i32
      %dma_start3A_31 = arith.constant 0 : i32
      %dma_start3A_32 = tpu.memref_slice %arg2[%run_scoped3A, %add3A, %dma_start3A, %dma_start3A_31] : memref<2x32x125x80xi32, #tpu.memory_space<hbm>> -> memref<1x1x125x80xi32, #tpu.memory_space<hbm>>
      %dma_start3A_33 = tpu.memref_squeeze %dma_start3A_32 : memref<1x1x125x80xi32, #tpu.memory_space<hbm>> -> memref<125x80xi32, #tpu.memory_space<hbm>>
      %dma_start3A_34 = arith.constant 0 : i32
      %dma_start3A_35 = arith.constant 0 : i32
      %dma_start3A_36 = tpu.memref_slice %arg2[%run_scoped3A, %add3A, %dma_start3A_34, %dma_start3A_35] : memref<2x32x125x80xi32, #tpu.memory_space<hbm>> -> memref<1x1x125x80xi32, #tpu.memory_space<hbm>>
      %dma_start3A_37 = tpu.memref_squeeze %dma_start3A_36 : memref<1x1x125x80xi32, #tpu.memory_space<hbm>> -> memref<125x80xi32, #tpu.memory_space<hbm>>
      tpu.enqueue_dma source(%dma_start3A_37 : memref<125x80xi32, #tpu.memory_space<hbm>>) target(%arg4 : memref<125x80xi32, #tpu.memory_space<vmem>>) target_semaphore(%run_scoped3A_30 : memref<!tpu.dma_semaphore, #tpu.memory_space<semaphore_mem>>)
      %dma_wait3A = arith.constant 0 : i32
      %dma_wait3A_38 = arith.constant 0 : i32
      %dma_wait3A_39 = tpu.memref_slice %arg2[%run_scoped3A, %add3A, %dma_wait3A, %dma_wait3A_38] : memref<2x32x125x80xi32, #tpu.memory_space<hbm>> -> memref<1x1x125x80xi32, #tpu.memory_space<hbm>>
      %dma_wait3A_40 = tpu.memref_squeeze %dma_wait3A_39 : memref<1x1x125x80xi32, #tpu.memory_space<hbm>> -> memref<125x80xi32, #tpu.memory_space<hbm>>
      %dma_wait3A_41 = arith.constant 0 : i32
      %dma_wait3A_42 = arith.constant 0 : i32
      %dma_wait3A_43 = tpu.memref_slice %arg2[%run_scoped3A, %add3A, %dma_wait3A_41, %dma_wait3A_42] : memref<2x32x125x80xi32, #tpu.memory_space<hbm>> -> memref<1x1x125x80xi32, #tpu.memory_space<hbm>>
      %dma_wait3A_44 = tpu.memref_squeeze %dma_wait3A_43 : memref<1x1x125x80xi32, #tpu.memory_space<hbm>> -> memref<125x80xi32, #tpu.memory_space<hbm>>
      tpu.wait_dma2 semaphore(%run_scoped3A_30 : memref<!tpu.dma_semaphore, #tpu.memory_space<semaphore_mem>>) src(%dma_wait3A_44 : memref<125x80xi32, #tpu.memory_space<hbm>>) dst(%arg4 : memref<125x80xi32, #tpu.memory_space<vmem>>)
      tpu.yield
    }) : () -> ()
    %broadcast_in_dim3A = arith.constant 1.000000e+00 : f32
    %broadcast_in_dim3A_1 = vector.broadcast %broadcast_in_dim3A : f32 to vector<16xf32>
    %scan3A = arith.constant 0 : i32
    %scan3A_2 = arith.constant 0 : i32
    %scan3A_3 = arith.constant 80 : i32
    %scan3A_4 = arith.addi %scan3A_2, %scan3A_3 : i32
    %scan3A_5 = arith.constant 1 : i32
    scf.for %scan3A_30 = %scan3A_2 to %scan3A_4 step %scan3A_5  : i32 {
      %scan3A_31 = arith.constant 0 : i32
      %scan3A_32 = arith.constant 8 : i32
      %scan3A_33 = arith.addi %scan3A_31, %scan3A_32 : i32
      %scan3A_34 = arith.constant 1 : i32
      scf.for %scan3A_36 = %scan3A_31 to %scan3A_33 step %scan3A_34  : i32 {
        %mul3A_37 = arith.constant 16 : i32
        %mul3A_38 = arith.muli %scan3A_36, %mul3A_37 : i32
        %swap3A = arith.index_cast %scan3A_30 : i32 to index
        %swap3A_39 = arith.index_cast %mul3A_38 : i32 to index
        %swap3A_40 = tpu.vector_load %arg5[%swap3A, %swap3A_39] {strides = array<i32>} : memref<80x128xf32, #tpu.memory_space<vmem>>, vector<1x16xf32>,
        %swap3A_41 = vector.shape_cast %swap3A_40 : vector<1x16xf32> to vector<16xf32>
        %swap3A_42 = vector.shape_cast %broadcast_in_dim3A_1 : vector<16xf32> to vector<1x16xf32>
        tpu.vector_store %arg5[%swap3A, %swap3A_39], %swap3A_42 {strides = array<i32>} : memref<80x128xf32, #tpu.memory_space<vmem>>, vector<1x16xf32>,
      }
      %scan3A_35 = arith.constant 8 : i32
    }
    %scan3A_6 = arith.constant 80 : i32
    %broadcast_in_dim3A_7 = arith.constant 0.000000e+00 : f32
    %broadcast_in_dim3A_8 = vector.broadcast %broadcast_in_dim3A_7 : f32 to vector<16xf32>
    %scan3A_9 = arith.constant 0 : i32
    %scan3A_10 = arith.constant 0 : i32
    %scan3A_11 = arith.constant 80 : i32
    %scan3A_12 = arith.addi %scan3A_10, %scan3A_11 : i32
    %scan3A_13 = arith.constant 1 : i32
    scf.for %scan3A_30 = %scan3A_10 to %scan3A_12 step %scan3A_13  : i32 {
      %scan3A_31 = arith.constant 0 : i32
      %scan3A_32 = arith.constant 8 : i32
      %scan3A_33 = arith.addi %scan3A_31, %scan3A_32 : i32
      %scan3A_34 = arith.constant 1 : i32
      scf.for %scan3A_36 = %scan3A_31 to %scan3A_33 step %scan3A_34  : i32 {
        %mul3A_37 = arith.constant 16 : i32
        %mul3A_38 = arith.muli %scan3A_36, %mul3A_37 : i32
        %swap3A = arith.index_cast %scan3A_30 : i32 to index
        %swap3A_39 = arith.index_cast %mul3A_38 : i32 to index
        %swap3A_40 = tpu.vector_load %arg6[%swap3A, %swap3A_39] {strides = array<i32>} : memref<80x128xf32, #tpu.memory_space<vmem>>, vector<1x16xf32>,
        %swap3A_41 = vector.shape_cast %swap3A_40 : vector<1x16xf32> to vector<16xf32>
        %swap3A_42 = vector.shape_cast %broadcast_in_dim3A_8 : vector<16xf32> to vector<1x16xf32>
        tpu.vector_store %arg6[%swap3A, %swap3A_39], %swap3A_42 {strides = array<i32>} : memref<80x128xf32, #tpu.memory_space<vmem>>, vector<1x16xf32>,
      }
      %scan3A_35 = arith.constant 8 : i32
    }
    %scan3A_14 = arith.constant 80 : i32
    %mul3A_15 = arith.constant 640 : i32
    %mul3A_16 = arith.muli %arg1, %mul3A_15 : i32
    %scan3A_17 = arith.constant 0 : i32
    %scan3A_18 = arith.constant 0 : i32
    %scan3A_19 = arith.constant 8 : i32
    %scan3A_20 = arith.addi %scan3A_18, %scan3A_19 : i32
    %scan3A_21 = arith.constant 1 : i32
    scf.for %scan3A_30 = %scan3A_18 to %scan3A_20 step %scan3A_21  : i32 {
      %mul3A_31 = arith.constant 80 : i32
      %mul3A_32 = arith.muli %scan3A_30, %mul3A_31 : i32
      %add3A_33 = arith.addi %mul3A_16, %mul3A_32 : i32
      "tpu.region"() ({
        %run_scoped3A_34 = tpu.sem_alloc : memref<!tpu.dma_semaphore, #tpu.memory_space<semaphore_mem>>
        %dma_start3A = arith.constant 0 : i32
        %dma_start3A_35 = tpu.memref_slice %arg7[%add3A_33, %dma_start3A] : memref<10240x128xf32, #tpu.memory_space<vmem_shared>> -> memref<80x128xf32, #tpu.memory_space<vmem_shared>>
        %dma_start3A_36 = arith.constant 0 : i32
        %dma_start3A_37 = tpu.memref_slice %arg7[%add3A_33, %dma_start3A_36] : memref<10240x128xf32, #tpu.memory_space<vmem_shared>> -> memref<80x128xf32, #tpu.memory_space<vmem_shared>>
        tpu.enqueue_dma source(%arg6 : memref<80x128xf32, #tpu.memory_space<vmem>>) target(%dma_start3A_37 : memref<80x128xf32, #tpu.memory_space<vmem_shared>>) target_semaphore(%run_scoped3A_34 : memref<!tpu.dma_semaphore, #tpu.memory_space<semaphore_mem>>)
        %dma_wait3A = arith.constant 0 : i32
        %dma_wait3A_38 = tpu.memref_slice %arg7[%add3A_33, %dma_wait3A] : memref<10240x128xf32, #tpu.memory_space<vmem_shared>> -> memref<80x128xf32, #tpu.memory_space<vmem_shared>>
        %dma_wait3A_39 = arith.constant 0 : i32
        %dma_wait3A_40 = tpu.memref_slice %arg7[%add3A_33, %dma_wait3A_39] : memref<10240x128xf32, #tpu.memory_space<vmem_shared>> -> memref<80x128xf32, #tpu.memory_space<vmem_shared>>
        tpu.wait_dma2 semaphore(%run_scoped3A_34 : memref<!tpu.dma_semaphore, #tpu.memory_space<semaphore_mem>>) src(%arg6 : memref<80x128xf32, #tpu.memory_space<vmem>>) dst(%dma_wait3A_40 : memref<80x128xf32, #tpu.memory_space<vmem_shared>>)
        tpu.yield
      }) : () -> ()
    }
    %scan3A_22 = arith.constant 8 : i32
    %barrier3A = arith.constant 0 : index
    tpu.barrier barrier_id(%barrier3A)
    %scan3A_23 = arith.constant 0 : i32
    %scan3A_24 = arith.constant 0 : i32
    %scan3A_25 = arith.constant 125 : i32
    %scan3A_26 = arith.addi %scan3A_24, %scan3A_25 : i32
    %scan3A_27 = arith.constant 1 : i32
    scf.for %scan3A_30 = %scan3A_24 to %scan3A_26 step %scan3A_27  : i32 {
      "tpu.region"() ({
        %run_scoped3A_31 = tpu.sem_alloc : memref<!tpu.dma_semaphore, #tpu.memory_space<semaphore_mem>>
        %dma_start3A = arith.constant 0 : i32
        %dma_start3A_32 = tpu.memref_slice %arg4[%scan3A_30, %dma_start3A] : memref<125x80xi32, #tpu.memory_space<vmem>> -> memref<1x80xi32, #tpu.memory_space<vmem>>
        %dma_start3A_33 = tpu.memref_squeeze %dma_start3A_32 : memref<1x80xi32, #tpu.memory_space<vmem>> -> memref<80xi32, #tpu.memory_space<vmem>>
        %dma_start3A_34 = arith.constant 0 : i32
        %dma_start3A_35 = arith.constant 0 : i32
        %dma_start3A_36 = tpu.memref_slice %arg7[%dma_start3A_34, %dma_start3A_35] : memref<10240x128xf32, #tpu.memory_space<vmem_shared>> -> memref<10240x128xf32, #tpu.memory_space<vmem_shared>>
        tpu.enqueue_indirect_dma source(%arg5 : memref<80x128xf32, #tpu.memory_space<vmem>>) target(%dma_start3A_36 : memref<10240x128xf32, #tpu.memory_space<vmem_shared>>) offsets(%dma_start3A_33 : memref<80xi32, #tpu.memory_space<vmem>>) semaphore(%run_scoped3A_31 : memref<!tpu.dma_semaphore, #tpu.memory_space<semaphore_mem>>) {add = true}
        %dma_wait3A = arith.constant 0 : i32
        %dma_wait3A_37 = tpu.memref_slice %arg4[%scan3A_30, %dma_wait3A] : memref<125x80xi32, #tpu.memory_space<vmem>> -> memref<1x80xi32, #tpu.memory_space<vmem>>
        %dma_wait3A_38 = tpu.memref_squeeze %dma_wait3A_37 : memref<1x80xi32, #tpu.memory_space<vmem>> -> memref<80xi32, #tpu.memory_space<vmem>>
        %dma_wait3A_39 = arith.constant 0 : i32
        %dma_wait3A_40 = arith.constant 0 : i32
        %dma_wait3A_41 = tpu.memref_slice %arg7[%dma_wait3A_39, %dma_wait3A_40] : memref<10240x128xf32, #tpu.memory_space<vmem_shared>> -> memref<10240x128xf32, #tpu.memory_space<vmem_shared>>
        tpu.wait_indirect_dma semaphore(%run_scoped3A_31 : memref<!tpu.dma_semaphore, #tpu.memory_space<semaphore_mem>>) src(%arg5 : memref<80x128xf32, #tpu.memory_space<vmem>>) dst(%dma_wait3A_41 : memref<10240x128xf32, #tpu.memory_space<vmem_shared>>)
        tpu.yield
      }) : () -> ()
    }
    %scan3A_28 = arith.constant 125 : i32
    %barrier3A_29 = arith.constant 0 : index
    tpu.barrier barrier_id(%barrier3A_29)
    "tpu.region"() ({
      %run_scoped3A_30 = tpu.sem_alloc : memref<!tpu.dma_semaphore, #tpu.memory_space<semaphore_mem>>
      %dma_start3A = arith.constant 0 : i32
      %dma_start3A_31 = tpu.memref_slice %arg3[%arg0, %mul3A_16, %dma_start3A] : memref<2x10240x128xf32, #tpu.memory_space<hbm>> -> memref<1x640x128xf32, #tpu.memory_space<hbm>>
      %dma_start3A_32 = tpu.memref_squeeze %dma_start3A_31 : memref<1x640x128xf32, #tpu.memory_space<hbm>> -> memref<640x128xf32, #tpu.memory_space<hbm>>
      %dma_start3A_33 = arith.constant 0 : i32
      %dma_start3A_34 = tpu.memref_slice %arg7[%mul3A_16, %dma_start3A_33] : memref<10240x128xf32, #tpu.memory_space<vmem_shared>> -> memref<640x128xf32, #tpu.memory_space<vmem_shared>>
      tpu.enqueue_dma source(%dma_start3A_34 : memref<640x128xf32, #tpu.memory_space<vmem_shared>>) target(%dma_start3A_32 : memref<640x128xf32, #tpu.memory_space<hbm>>) target_semaphore(%run_scoped3A_30 : memref<!tpu.dma_semaphore, #tpu.memory_space<semaphore_mem>>)
      %dma_wait3A = arith.constant 0 : i32
      %dma_wait3A_35 = tpu.memref_slice %arg3[%arg0, %mul3A_16, %dma_wait3A] : memref<2x10240x128xf32, #tpu.memory_space<hbm>> -> memref<1x640x128xf32, #tpu.memory_space<hbm>>
      %dma_wait3A_36 = tpu.memref_squeeze %dma_wait3A_35 : memref<1x640x128xf32, #tpu.memory_space<hbm>> -> memref<640x128xf32, #tpu.memory_space<hbm>>
      %dma_wait3A_37 = arith.constant 0 : i32
      %dma_wait3A_38 = tpu.memref_slice %arg7[%mul3A_16, %dma_wait3A_37] : memref<10240x128xf32, #tpu.memory_space<vmem_shared>> -> memref<640x128xf32, #tpu.memory_space<vmem_shared>>
      tpu.wait_dma2 semaphore(%run_scoped3A_30 : memref<!tpu.dma_semaphore, #tpu.memory_space<semaphore_mem>>) src(%dma_wait3A_38 : memref<640x128xf32, #tpu.memory_space<vmem_shared>>) dst(%dma_wait3A_36 : memref<640x128xf32, #tpu.memory_space<hbm>>)
      tpu.yield
    }) : () -> ()
    return
  }
}

module attributes {stable_mosaic.version = 14 : i64} {
  func.func @_mm2_body(%arg0: i32, %arg1: memref<1000x128xf32, #tpu.memory_space<vmem>>, %arg2: memref<128x128xf32, #tpu.memory_space<vmem>>, %arg3: memref<128x128xf32, #tpu.memory_space<vmem>>, %arg4: memref<1x128xf32, #tpu.memory_space<vmem>>, %arg5: memref<1000x128xf32, #tpu.memory_space<vmem>>, %arg6: memref<1000x128xf32, #tpu.memory_space<vmem>>) attributes {dimension_semantics = [#tpu.dimension_semantics<arbitrary>], iteration_bounds = array<i64: 10>, scalar_prefetch = 0 : i64, scratch_operands = 0 : i64, tpu.core_type = #tpu.core_type<tc>, window_params = [{transform_indices = @transform_0, window_bounds = array<i64: 1000, 128>}, {pipeline_mode = #tpu.pipeline_mode<synchronous>, transform_indices = @transform_1, window_bounds = array<i64: 128, 128>}, {pipeline_mode = #tpu.pipeline_mode<synchronous>, transform_indices = @transform_2, window_bounds = array<i64: 128, 128>}, {pipeline_mode = #tpu.pipeline_mode<synchronous>, transform_indices = @transform_3, window_bounds = array<i64: 1, 128>}, {transform_indices = @transform_4, window_bounds = array<i64: 1000, 128>}, {transform_indices = @transform_5, window_bounds = array<i64: 1000, 128>}]} {
    %get3A = arith.constant 0 : index
    %get3A_0 = arith.constant 0 : index
    %get3A_1 = vector.load %arg1[%get3A, %get3A_0] : memref<1000x128xf32, #tpu.memory_space<vmem>>, vector<1000x128xf32>
    %get3A_2 = arith.constant 0 : index
    %get3A_3 = arith.constant 0 : index
    %get3A_4 = vector.load %arg2[%get3A_2, %get3A_3] : memref<128x128xf32, #tpu.memory_space<vmem>>, vector<128x128xf32>
    %dot_general3A = arith.constant dense<0.000000e+00> : vector<1000x128xf32>
    %dot_general3A_5 = tpu.matmul %get3A_1, %get3A_4, %dot_general3A {dimension_numbers = #tpu.dot_dimension_numbers<[1], [0], [0], [1], [0, 0, 1, 1], [], []>, transpose_lhs_hint = false} : vector<1000x128xf32>, vector<128x128xf32>, vector<1000x128xf32> -> vector<1000x128xf32>
    %swap3A = arith.constant 0 : index
    %swap3A_6 = arith.constant 0 : index
    %swap3A_7 = vector.load %arg5[%swap3A, %swap3A_6] : memref<1000x128xf32, #tpu.memory_space<vmem>>, vector<1000x128xf32>
    tpu.vector_store %arg5[%swap3A, %swap3A_6], %dot_general3A_5 {strides = array<i32>} : memref<1000x128xf32, #tpu.memory_space<vmem>>, vector<1000x128xf32>,
    %get3A_8 = arith.constant 0 : index
    %get3A_9 = arith.constant 0 : index
    %get3A_10 = vector.load %arg3[%get3A_8, %get3A_9] : memref<128x128xf32, #tpu.memory_space<vmem>>, vector<128x128xf32>
    %dot_general3A_11 = arith.constant dense<0.000000e+00> : vector<1000x128xf32>
    %dot_general3A_12 = tpu.matmul %get3A_1, %get3A_10, %dot_general3A_11 {dimension_numbers = #tpu.dot_dimension_numbers<[1], [0], [0], [1], [0, 0, 1, 1], [], []>, transpose_lhs_hint = false} : vector<1000x128xf32>, vector<128x128xf32>, vector<1000x128xf32> -> vector<1000x128xf32>
    %get3A_13 = arith.constant 0 : index
    %get3A_14 = arith.constant 0 : index
    %get3A_15 = vector.load %arg4[%get3A_13, %get3A_14] : memref<1x128xf32, #tpu.memory_space<vmem>>, vector<1x128xf32>
    %add3A = vector.broadcast %get3A_15 : vector<1x128xf32> to vector<1000x128xf32>
    %add3A_16 = arith.addf %dot_general3A_12, %add3A : vector<1000x128xf32>
    %swap3A_17 = arith.constant 0 : index
    %swap3A_18 = arith.constant 0 : index
    %swap3A_19 = vector.load %arg6[%swap3A_17, %swap3A_18] : memref<1000x128xf32, #tpu.memory_space<vmem>>, vector<1000x128xf32>
    tpu.vector_store %arg6[%swap3A_17, %swap3A_18], %add3A_16 {strides = array<i32>} : memref<1000x128xf32, #tpu.memory_space<vmem>>, vector<1000x128xf32>,
    return
  }
  func.func @transform_0(%arg0: i32) -> (i32, i32) {
    %c0_i32 = arith.constant 0 : i32
    %c0_i32_0 = arith.constant 0 : i32
    return %arg0, %c0_i32 : i32, i32
  }
  func.func @transform_1(%arg0: i32) -> (i32, i32) {
    %c0_i32 = arith.constant 0 : i32
    %c0_i32_0 = arith.constant 0 : i32
    %c0_i32_1 = arith.constant 0 : i32
    return %c0_i32, %c0_i32_0 : i32, i32
  }
  func.func @transform_2(%arg0: i32) -> (i32, i32) {
    %c0_i32 = arith.constant 0 : i32
    %c0_i32_0 = arith.constant 0 : i32
    %c0_i32_1 = arith.constant 0 : i32
    return %c0_i32, %c0_i32_0 : i32, i32
  }
  func.func @transform_3(%arg0: i32) -> (i32, i32) {
    %c0_i32 = arith.constant 0 : i32
    %c0_i32_0 = arith.constant 0 : i32
    %c0_i32_1 = arith.constant 0 : i32
    return %c0_i32, %c0_i32_0 : i32, i32
  }
  func.func @transform_4(%arg0: i32) -> (i32, i32) {
    %c0_i32 = arith.constant 0 : i32
    %c0_i32_0 = arith.constant 0 : i32
    return %arg0, %c0_i32 : i32, i32
  }
  func.func @transform_5(%arg0: i32) -> (i32, i32) {
    %c0_i32 = arith.constant 0 : i32
    %c0_i32_0 = arith.constant 0 : i32
    return %arg0, %c0_i32 : i32, i32
  }
}

module attributes {stable_mosaic.version = 14 : i64} {
  func.func @_comb_mm_body(%arg0: i32, %arg1: memref<2x1000x128xf32, #tpu.memory_space<vmem>>, %arg2: memref<2x1000x128xf32, #tpu.memory_space<vmem>>, %arg3: memref<1000x128xf32, #tpu.memory_space<vmem>>, %arg4: memref<128x128xf32, #tpu.memory_space<vmem>>, %arg5: memref<128x128xf32, #tpu.memory_space<vmem>>, %arg6: memref<1x128xf32, #tpu.memory_space<vmem>>, %arg7: memref<1000x128xf32, #tpu.memory_space<vmem>>, %arg8: memref<1000x128xf32, #tpu.memory_space<vmem>>) attributes {dimension_semantics = [#tpu.dimension_semantics<arbitrary>], iteration_bounds = array<i64: 10>, scalar_prefetch = 0 : i64, scratch_operands = 0 : i64, tpu.core_type = #tpu.core_type<tc>, window_params = [{transform_indices = @transform_0, window_bounds = array<i64: 2, 1000, 128>}, {transform_indices = @transform_1, window_bounds = array<i64: 2, 1000, 128>}, {transform_indices = @transform_2, window_bounds = array<i64: 1000, 128>}, {pipeline_mode = #tpu.pipeline_mode<synchronous>, transform_indices = @transform_3, window_bounds = array<i64: 128, 128>}, {pipeline_mode = #tpu.pipeline_mode<synchronous>, transform_indices = @transform_4, window_bounds = array<i64: 128, 128>}, {pipeline_mode = #tpu.pipeline_mode<synchronous>, transform_indices = @transform_5, window_bounds = array<i64: 1, 128>}, {transform_indices = @transform_6, window_bounds = array<i64: 1000, 128>}, {transform_indices = @transform_7, window_bounds = array<i64: 1000, 128>}]} {
    %get3A = arith.constant 0 : index
    %get3A_0 = arith.constant 0 : index
    %get3A_1 = arith.constant 0 : index
    %get3A_2 = vector.load %arg1[%get3A, %get3A_0, %get3A_1] : memref<2x1000x128xf32, #tpu.memory_space<vmem>>, vector<1x1000x128xf32>
    %get3A_3 = vector.shape_cast %get3A_2 : vector<1x1000x128xf32> to vector<1000x128xf32>
    %get3A_4 = arith.constant 1 : index
    %get3A_5 = arith.constant 0 : index
    %get3A_6 = arith.constant 0 : index
    %get3A_7 = vector.load %arg1[%get3A_4, %get3A_5, %get3A_6] : memref<2x1000x128xf32, #tpu.memory_space<vmem>>, vector<1x1000x128xf32>
    %get3A_8 = vector.shape_cast %get3A_7 : vector<1x1000x128xf32> to vector<1000x128xf32>
    %add3A = arith.addf %get3A_3, %get3A_8 : vector<1000x128xf32>
    %get3A_9 = arith.constant 0 : index
    %get3A_10 = arith.constant 0 : index
    %get3A_11 = arith.constant 0 : index
    %get3A_12 = vector.load %arg2[%get3A_9, %get3A_10, %get3A_11] : memref<2x1000x128xf32, #tpu.memory_space<vmem>>, vector<1x1000x1xf32>
    %get3A_13 = vector.shape_cast %get3A_12 : vector<1x1000x1xf32> to vector<1000x1xf32>
    %get3A_14 = arith.constant 1 : index
    %get3A_15 = arith.constant 0 : index
    %get3A_16 = arith.constant 0 : index
    %get3A_17 = vector.load %arg2[%get3A_14, %get3A_15, %get3A_16] : memref<2x1000x128xf32, #tpu.memory_space<vmem>>, vector<1x1000x1xf32>
    %get3A_18 = vector.shape_cast %get3A_17 : vector<1x1000x1xf32> to vector<1000x1xf32>
    %add3A_19 = arith.addf %get3A_13, %get3A_18 : vector<1000x1xf32>
    %max3A = arith.constant 1.000000e+00 : f32
    %max3A_20 = vector.broadcast %max3A : f32 to vector<1000x1xf32>
    %max3A_21 = arith.maximumf %add3A_19, %max3A_20 : vector<1000x1xf32>
    %div3A = vector.broadcast %max3A_21 : vector<1000x1xf32> to vector<1000x128xf32>
    %div3A_22 = arith.divf %add3A, %div3A : vector<1000x128xf32>
    %get3A_23 = arith.constant 0 : index
    %get3A_24 = arith.constant 0 : index
    %get3A_25 = vector.load %arg3[%get3A_23, %get3A_24] : memref<1000x128xf32, #tpu.memory_space<vmem>>, vector<1000x128xf32>
    %add3A_26 = arith.addf %div3A_22, %get3A_25 : vector<1000x128xf32>
    %max3A_27 = arith.constant 0.000000e+00 : f32
    %max3A_28 = vector.broadcast %max3A_27 : f32 to vector<1000x128xf32>
    %max3A_29 = arith.maximumf %add3A_26, %max3A_28 : vector<1000x128xf32>
    %get3A_30 = arith.constant 0 : index
    %get3A_31 = arith.constant 0 : index
    %get3A_32 = vector.load %arg4[%get3A_30, %get3A_31] : memref<128x128xf32, #tpu.memory_space<vmem>>, vector<128x128xf32>
    %dot_general3A = arith.constant dense<0.000000e+00> : vector<1000x128xf32>
    %dot_general3A_33 = tpu.matmul %max3A_29, %get3A_32, %dot_general3A {dimension_numbers = #tpu.dot_dimension_numbers<[1], [0], [0], [1], [0, 0, 1, 1], [], []>, transpose_lhs_hint = false} : vector<1000x128xf32>, vector<128x128xf32>, vector<1000x128xf32> -> vector<1000x128xf32>
    %swap3A = arith.constant 0 : index
    %swap3A_34 = arith.constant 0 : index
    %swap3A_35 = vector.load %arg7[%swap3A, %swap3A_34] : memref<1000x128xf32, #tpu.memory_space<vmem>>, vector<1000x128xf32>
    tpu.vector_store %arg7[%swap3A, %swap3A_34], %dot_general3A_33 {strides = array<i32>} : memref<1000x128xf32, #tpu.memory_space<vmem>>, vector<1000x128xf32>,
    %get3A_36 = arith.constant 0 : index
    %get3A_37 = arith.constant 0 : index
    %get3A_38 = vector.load %arg5[%get3A_36, %get3A_37] : memref<128x128xf32, #tpu.memory_space<vmem>>, vector<128x128xf32>
    %dot_general3A_39 = arith.constant dense<0.000000e+00> : vector<1000x128xf32>
    %dot_general3A_40 = tpu.matmul %max3A_29, %get3A_38, %dot_general3A_39 {dimension_numbers = #tpu.dot_dimension_numbers<[1], [0], [0], [1], [0, 0, 1, 1], [], []>, transpose_lhs_hint = false} : vector<1000x128xf32>, vector<128x128xf32>, vector<1000x128xf32> -> vector<1000x128xf32>
    %get3A_41 = arith.constant 0 : index
    %get3A_42 = arith.constant 0 : index
    %get3A_43 = vector.load %arg6[%get3A_41, %get3A_42] : memref<1x128xf32, #tpu.memory_space<vmem>>, vector<1x128xf32>
    %add3A_44 = vector.broadcast %get3A_43 : vector<1x128xf32> to vector<1000x128xf32>
    %add3A_45 = arith.addf %dot_general3A_40, %add3A_44 : vector<1000x128xf32>
    %swap3A_46 = arith.constant 0 : index
    %swap3A_47 = arith.constant 0 : index
    %swap3A_48 = vector.load %arg8[%swap3A_46, %swap3A_47] : memref<1000x128xf32, #tpu.memory_space<vmem>>, vector<1000x128xf32>
    tpu.vector_store %arg8[%swap3A_46, %swap3A_47], %add3A_45 {strides = array<i32>} : memref<1000x128xf32, #tpu.memory_space<vmem>>, vector<1000x128xf32>,
    return
  }
  func.func @transform_0(%arg0: i32) -> (i32, i32, i32) {
    %c0_i32 = arith.constant 0 : i32
    %c0_i32_0 = arith.constant 0 : i32
    %c0_i32_1 = arith.constant 0 : i32
    return %c0_i32, %arg0, %c0_i32_0 : i32, i32, i32
  }
  func.func @transform_1(%arg0: i32) -> (i32, i32, i32) {
    %c0_i32 = arith.constant 0 : i32
    %c0_i32_0 = arith.constant 0 : i32
    %c0_i32_1 = arith.constant 0 : i32
    return %c0_i32, %arg0, %c0_i32_0 : i32, i32, i32
  }
  func.func @transform_2(%arg0: i32) -> (i32, i32) {
    %c0_i32 = arith.constant 0 : i32
    %c0_i32_0 = arith.constant 0 : i32
    return %arg0, %c0_i32 : i32, i32
  }
  func.func @transform_3(%arg0: i32) -> (i32, i32) {
    %c0_i32 = arith.constant 0 : i32
    %c0_i32_0 = arith.constant 0 : i32
    %c0_i32_1 = arith.constant 0 : i32
    return %c0_i32, %c0_i32_0 : i32, i32
  }
  func.func @transform_4(%arg0: i32) -> (i32, i32) {
    %c0_i32 = arith.constant 0 : i32
    %c0_i32_0 = arith.constant 0 : i32
    %c0_i32_1 = arith.constant 0 : i32
    return %c0_i32, %c0_i32_0 : i32, i32
  }
  func.func @transform_5(%arg0: i32) -> (i32, i32) {
    %c0_i32 = arith.constant 0 : i32
    %c0_i32_0 = arith.constant 0 : i32
    %c0_i32_1 = arith.constant 0 : i32
    return %c0_i32, %c0_i32_0 : i32, i32
  }
  func.func @transform_6(%arg0: i32) -> (i32, i32) {
    %c0_i32 = arith.constant 0 : i32
    %c0_i32_0 = arith.constant 0 : i32
    return %arg0, %c0_i32 : i32, i32
  }
  func.func @transform_7(%arg0: i32) -> (i32, i32) {
    %c0_i32 = arith.constant 0 : i32
    %c0_i32_0 = arith.constant 0 : i32
    return %arg0, %c0_i32 : i32, i32
  }
}

module attributes {stable_mosaic.version = 14 : i64} {
  func.func @_final_body(%arg0: i32, %arg1: memref<2x1000x128xf32, #tpu.memory_space<vmem>>, %arg2: memref<2x1000x128xf32, #tpu.memory_space<vmem>>, %arg3: memref<1000x128xf32, #tpu.memory_space<vmem>>, %arg4: memref<1000x128xf32, #tpu.memory_space<vmem>>) attributes {dimension_semantics = [#tpu.dimension_semantics<arbitrary>], iteration_bounds = array<i64: 10>, scalar_prefetch = 0 : i64, scratch_operands = 0 : i64, tpu.core_type = #tpu.core_type<tc>, window_params = [{transform_indices = @transform_0, window_bounds = array<i64: 2, 1000, 128>}, {transform_indices = @transform_1, window_bounds = array<i64: 2, 1000, 128>}, {transform_indices = @transform_2, window_bounds = array<i64: 1000, 128>}, {transform_indices = @transform_3, window_bounds = array<i64: 1000, 128>}]} {
    %get3A = arith.constant 0 : index
    %get3A_0 = arith.constant 0 : index
    %get3A_1 = arith.constant 0 : index
    %get3A_2 = vector.load %arg1[%get3A, %get3A_0, %get3A_1] : memref<2x1000x128xf32, #tpu.memory_space<vmem>>, vector<1x1000x128xf32>
    %get3A_3 = vector.shape_cast %get3A_2 : vector<1x1000x128xf32> to vector<1000x128xf32>
    %get3A_4 = arith.constant 1 : index
    %get3A_5 = arith.constant 0 : index
    %get3A_6 = arith.constant 0 : index
    %get3A_7 = vector.load %arg1[%get3A_4, %get3A_5, %get3A_6] : memref<2x1000x128xf32, #tpu.memory_space<vmem>>, vector<1x1000x128xf32>
    %get3A_8 = vector.shape_cast %get3A_7 : vector<1x1000x128xf32> to vector<1000x128xf32>
    %add3A = arith.addf %get3A_3, %get3A_8 : vector<1000x128xf32>
    %get3A_9 = arith.constant 0 : index
    %get3A_10 = arith.constant 0 : index
    %get3A_11 = arith.constant 0 : index
    %get3A_12 = vector.load %arg2[%get3A_9, %get3A_10, %get3A_11] : memref<2x1000x128xf32, #tpu.memory_space<vmem>>, vector<1x1000x1xf32>
    %get3A_13 = vector.shape_cast %get3A_12 : vector<1x1000x1xf32> to vector<1000x1xf32>
    %get3A_14 = arith.constant 1 : index
    %get3A_15 = arith.constant 0 : index
    %get3A_16 = arith.constant 0 : index
    %get3A_17 = vector.load %arg2[%get3A_14, %get3A_15, %get3A_16] : memref<2x1000x128xf32, #tpu.memory_space<vmem>>, vector<1x1000x1xf32>
    %get3A_18 = vector.shape_cast %get3A_17 : vector<1x1000x1xf32> to vector<1000x1xf32>
    %add3A_19 = arith.addf %get3A_13, %get3A_18 : vector<1000x1xf32>
    %max3A = arith.constant 1.000000e+00 : f32
    %max3A_20 = vector.broadcast %max3A : f32 to vector<1000x1xf32>
    %max3A_21 = arith.maximumf %add3A_19, %max3A_20 : vector<1000x1xf32>
    %div3A = vector.broadcast %max3A_21 : vector<1000x1xf32> to vector<1000x128xf32>
    %div3A_22 = arith.divf %add3A, %div3A : vector<1000x128xf32>
    %get3A_23 = arith.constant 0 : index
    %get3A_24 = arith.constant 0 : index
    %get3A_25 = vector.load %arg3[%get3A_23, %get3A_24] : memref<1000x128xf32, #tpu.memory_space<vmem>>, vector<1000x128xf32>
    %add3A_26 = arith.addf %div3A_22, %get3A_25 : vector<1000x128xf32>
    %swap3A = arith.constant 0 : index
    %swap3A_27 = arith.constant 0 : index
    %swap3A_28 = vector.load %arg4[%swap3A, %swap3A_27] : memref<1000x128xf32, #tpu.memory_space<vmem>>, vector<1000x128xf32>
    tpu.vector_store %arg4[%swap3A, %swap3A_27], %add3A_26 {strides = array<i32>} : memref<1000x128xf32, #tpu.memory_space<vmem>>, vector<1000x128xf32>,
    return
  }
  func.func @transform_0(%arg0: i32) -> (i32, i32, i32) {
    %c0_i32 = arith.constant 0 : i32
    %c0_i32_0 = arith.constant 0 : i32
    %c0_i32_1 = arith.constant 0 : i32
    return %c0_i32, %arg0, %c0_i32_0 : i32, i32, i32
  }
  func.func @transform_1(%arg0: i32) -> (i32, i32, i32) {
    %c0_i32 = arith.constant 0 : i32
    %c0_i32_0 = arith.constant 0 : i32
    %c0_i32_1 = arith.constant 0 : i32
    return %c0_i32, %arg0, %c0_i32_0 : i32, i32, i32
  }
  func.func @transform_2(%arg0: i32) -> (i32, i32) {
    %c0_i32 = arith.constant 0 : i32
    %c0_i32_0 = arith.constant 0 : i32
    return %arg0, %c0_i32 : i32, i32
  }
  func.func @transform_3(%arg0: i32) -> (i32, i32) {
    %c0_i32 = arith.constant 0 : i32
    %c0_i32_0 = arith.constant 0 : i32
    return %arg0, %c0_i32 : i32, i32
  }
}

</mosaic_0001>

<sc_bundles>
// kernel: kernel.11.cloned.1.call-start
scs
__scs_entry_jumppad:
0x0: {  	(pc) =	sbr.rel $0x88, $3  }
0x1: {  	(tag) =	ssettag $0x0;
	lr =	simm.s32 $0x1  }
0x2: {  	[smem:$0x3F99] =	sst lr;
	_ =	strace $0xD0000000  }
0x3: {  	_ = 	snop  }
0x4: {  	_ = 	snop  }
0x5: {  	_ = 	snop  }
0x6: {  	_ = 	snop  }
0x7: {  	_ = 	snop  }
__scs_overlays_trampoline_lowered:
0x8: {  	[smem:$0x3FA8] =	sst s0  }
0x9: {  	[smem:$0x3FA9] =	sst s1  }
0xa: {  	[smem:$0x3FAA] =	sst s2  }
0xb: {  	[smem:$0x3FAB] =	sst s3  }
0xc: {  	[smem:$0x3FAC] =	sst s4  }
0xd: {  	[smem:$0x3FAD] =	sst s5  }
0xe: {  	[smem:$0x3FAE] =	sst s6  }
0xf: {  	[smem:$0x3FAF] =	sst s7  }
0x10: {  	[smem:$0x3FB0] =	sst s8  }
0x11: {  	[smem:$0x3FB1] =	sst s9;
	s0 =	simm.s32 @!p0 $0x0  }
0x12: {  	s1 =	sld [smem:$0x3F97];
	s0 =	simm.s32 @p0 $0x1  }
0x13: {  	[smem:$0x3FB2] =	sst s0;
	s0 =	simm.s32 @!p1 $0x0  }
0x14: {  	s2 =	sld [smem:$0x3F96];
	s0 =	simm.s32 @p1 $0x1  }
0x15: {  	[smem:$0x3FB3] =	sst s0;
	s0 =	simm.s32 @!p2 $0x0  }
0x16: {  	s3 =	sld [smem:$0x3FDB];
	s0 =	simm.s32 @p2 $0x1  }
0x17: {  	s4 =	simm.s32 $0x1BF5;
	[smem:$0x3FB5] =	sst s0  }
0x18: {  	s0 =	sld [smem:$0x3F98];
	_ =	swait.ge [sflag:s4], $0x0  }
0x19: {  	s7 =	sld [smem:$0x3F99]  }
0x1a: {  	s8 =	sadd.s32 $0xFFFFE003, lr  }
0x1b: {  	s9 =	sadd.s32 $0xFFFFFEF7, lr;
	s5 =	simm.s32 $0xFFFFFFFF;
	p2 =	slt.u32 s8, $0xFFFFF086  }
0x1c: {  	p1 =	slt.u32 s9, $0xF7A;
	s5 =	simm.s32 @!p2 $0x0  }
0x1d: {  	s5 =	simm.s32 @p1 $0x1;
	p0 =	seq.s32 s7, s2  }
0x1e: {  	s7 =	smul.u32 @!p0 $0xF7A, s2;
	p2 =	seq.s32 @!p0 s5, $0x0  }
0x1f: {  	s9 =	smul.u32 $0xF7A, s1;
	s8 =	simm.s32 @!p0 $0x1BF5;
	p2 =	por !p2, p0  }
0x20: {  	[sflag:s8] =	ssyncset.s32 @!p0 $0xFFFFF086;
	s6 =	sadd.s32 @!p0 s3, s7;
	s7 =	simm.s32 @!p0 $0x108  }
0x21: {  	s3 =	sadd.s32 s3, s9;
	s6 =	sadd.s32 @!p0 $0x88, s6;
	s7 =	simm.s32 @p2 $0x1082  }
0x22: {  	[simem:s7], [sflag:s8] =	dma.local @!p0 [hbm:s6], $0xF7A  }
0x23: {  	s9 =	sor.u32 $0xD0000000, s2;
	s6 =	simm.s32 $0x108;
	_ =	swait.ge @!p0 [sflag:s8], $0x0  }
0x24: {  	s3 =	sadd.s32 $0x88, s3;
	s6 =	simm.s32 @!p1 $0x1082;
	[sflag:s4] =	ssyncset.s32 $0xFFFFF086  }
0x25: {  	[simem:s6], [sflag:s4] =	dma.local [hbm:s3], $0xF7A  }
0x26: {  	[smem:$0x3F99] =	sst s1;
	(tag) =	ssettag s2;
	_ =	strace s9  }
0x27: {  	s1 =	sld [smem:$0x3FA9]  }
0x28: {  	s2 =	sld [smem:$0x3FAA]  }
0x29: {  	s4 =	sld [smem:$0x3FAC]  }
0x2a: {  	p0 =	seq.s32 s5, $0x0;
	s5 =	sld [smem:$0x3FAD]  }
0x2b: {  	s6 =	sld [smem:$0x3FAE]  }
0x2c: {  	s7 =	sld [smem:$0x3FAF]  }
0x2d: {  	s3 =	simm.s32 $0x108;
	s8 =	sld [smem:$0x3FB0]  }
0x2e: {  	s3 =	simm.s32 @!p0 $0x1082;
	s9 =	sld [smem:$0x3FB1]  }
0x2f: {  	lr =	sadd.s32 s0, s3;
	s0 =	sld [smem:$0x3FA8]  }
0x30: {  	s3 =	sld [smem:$0x3FAB]  }
0x31: {  	[smem:$0x3FB4] =	sst s10  }
0x32: {  	s10 =	sld [smem:$0x3FB2];
	_ =	sdelay $0x3  }
0x33: {  	p0 =	seq.s32 s10, $0x1;
	s10 =	sld [smem:$0x3FB4];
	_ =	sdelay $0x3  }
0x34: {  	[smem:$0x3FB4] =	sst s10  }
0x35: {  	s10 =	sld [smem:$0x3FB3];
	_ =	sdelay $0x3  }
0x36: {  	p1 =	seq.s32 s10, $0x1;
	s10 =	sld [smem:$0x3FB4];
	_ =	sdelay $0x3  }
0x37: {  	[smem:$0x3FB4] =	sst s10  }
0x38: {  	s10 =	sld [smem:$0x3FB5]  }
0x39: {  	_ = 	snop;
	(pc) =	sbr.ind lr, $3  }
0x3a: {  	_ = 	snop  }
0x3b: {  	_ = 	snop  }
0x3c: {  	p2 =	seq.s32 s10, $0x1;
	s10 =	sld [smem:$0x3FB4]  }
0x3d: {  	_ =	shalt  }
0x3e: {  	_ =	shalt  }
0x3f: {  	_ =	shalt  }
0x40: {  	_ =	shalt  }
0x41: {  	_ =	shalt  }
0x42: {  	_ =	shalt  }
0x43: {  	_ =	shalt  }
0x44: {  	_ =	shalt  }
0x45: {  	_ =	shalt  }
0x46: {  	_ =	shalt  }
0x47: {  	_ =	shalt  }
0x48: {  	_ =	shalt  }
0x49: {  	_ =	shalt  }
0x4a: {  	_ =	shalt  }
0x4b: {  	_ =	shalt  }
0x4c: {  	_ =	shalt  }
0x4d: {  	_ =	shalt  }
0x4e: {  	_ =	shalt  }
0x4f: {  	_ =	shalt  }
0x50: {  	_ =	shalt  }
0x51: {  	_ =	shalt  }
0x52: {  	_ =	shalt  }
0x53: {  	_ =	shalt  }
0x54: {  	_ =	shalt  }
0x55: {  	_ =	shalt  }
0x56: {  	_ =	shalt  }
0x57: {  	_ =	shalt  }
0x58: {  	_ =	shalt  }
0x59: {  	_ =	shalt  }
0x5a: {  	_ =	shalt  }
0x5b: {  	_ =	shalt  }
0x5c: {  	_ =	shalt  }
0x5d: {  	_ =	shalt  }
0x5e: {  	_ =	shalt  }
0x5f: {  	_ =	shalt  }
0x60: {  	_ =	shalt  }
0x61: {  	_ =	shalt  }
0x62: {  	_ =	shalt  }
0x63: {  	_ =	shalt  }
0x64: {  	_ =	shalt  }
0x65: {  	_ =	shalt  }
0x66: {  	_ =	shalt  }
0x67: {  	_ =	shalt  }
0x68: {  	_ =	shalt  }
0x69: {  	_ =	shalt  }
0x6a: {  	_ =	shalt  }
0x6b: {  	_ =	shalt  }
0x6c: {  	_ =	shalt  }
0x6d: {  	_ =	shalt  }
0x6e: {  	_ =	shalt  }
0x6f: {  	_ =	shalt  }
0x70: {  	_ =	shalt  }
0x71: {  	_ =	shalt  }
0x72: {  	_ =	shalt  }
0x73: {  	_ =	shalt  }
0x74: {  	_ =	shalt  }
0x75: {  	_ =	shalt  }
0x76: {  	_ =	shalt  }
0x77: {  	_ =	shalt  }
0x78: {  	_ =	shalt  }
0x79: {  	_ =	shalt  }
0x7a: {  	_ =	shalt  }
0x7b: {  	_ =	shalt  }
0x7c: {  	_ =	shalt  }
0x7d: {  	_ =	shalt  }
0x7e: {  	_ =	shalt  }
0x7f: {  	_ =	shalt  }
0x80: {  	_ =	shalt  }
0x81: {  	_ =	shalt  }
0x82: {  	_ =	shalt  }
0x83: {  	_ =	shalt  }
0x84: {  	_ =	shalt  }
0x85: {  	_ =	shalt  }
0x86: {  	_ =	shalt  }
0x87: {  	_ =	shalt  }
.Lfunc_end0:
.L_simem_size_0:
called_computation.1_lowered:
.L_overlay_start_0:
0x88: {  	s2 =	sld [smem:$0x3FD9]  }
0x89: {  	s3 =	sld [smem:$0x3FFE];
	_ =	sdelay $0x1  }
0x8a: {  	s1 =	srdreg.scid  }
0x8b: {  	s0 =	sand.u32 $0x1, s1  }
0x8c: {  	s17 =	sshll.u32 s0, $0xA;
	s2 =	sadd.s32 s3, s2  }
0x8d: {  	s2 =	sadd.s32 s2, s17  }
0x8e: {  	[smem:$0x3FC0] =	sst s2  }
0x8f: {  	_ = 	snop  }
0x90: {  	s2 =	sld [smem:$0x3FD0];
	(tm) =	ssettm $0x1  }
0x91: {  	s18 =	sld [smem:$0x3FFB];
	_ =	sdelay $0x3  }
0x92: {  	_ =	strace s18  }
0x93: {  	s3 =	sld [smem:$0x3FFC];
	_ =	sdelay $0x3  }
0x94: {  	_ =	strace s3  }
0x95: {  	s3 =	sld [smem:$0x3FFD];
	_ =	sdelay $0x3  }
0x96: {  	_ =	strace s3  }
0x97: {  	_ =	strace $0x8FFFFFFF  }
0x98: {  	s19 =	sld [smem:$0x3FDB];
	_ =	sdelay $0x1  }
0x99: {  	s4 =	simm.s32 $_scs_section_size  }
0x9a: {  	s5 =	simm.s32 $_size__tile_overlayer_lowered;
	s6 =	simm.s32 $_tile_overlayer_lowered  }
0x9b: {  	s22 =	simm.s32 $0x1BFF;
	s21 =	sshll.u32 s6, $0x1;
	s3 =	sadd.s32 s4, s19  }
0x9c: {  	s7 =	simm.s32 $0x0;
	s20 =	sshll.u32 s5, $0x1;
	s5 =	sadd.s32 s21, s3  }
0x9d: {  	[timem:s7], [sflag:s22] =	dma.local [hbm:s5], s20  }
0x9e: {  	_ =	swait.ge [sflag:s22], s20  }
0x9f: {  	s4 =	ssub.s32 $0x0, s20;
	[sflag:s22] =	ssyncset.done $0x0  }
0xa0: {  	[sflag:s22] =	ssyncadd.s32 s4;
	_ =	sdelay $0x1  }
0xa1: {  	s23 =	simm.s32 $0x1B8B  }
0xa2: {  	_ =	swait.ge [sflag:s23], $0x1  }
0xa3: {  	[sflag:s23] =	ssyncset.done $0x0  }
0xa4: {  	s25 =	simm.s32 $0x1B8E;
	s24 =	sld [smem:$0x3FFE];
	[sflag:s23] =	ssyncadd.s32 $0xFFFFFFFF  }
0xa5: {  	s26 =	simm.s32 $execute0_lowered;
	[smem:$0x3FD2] =	sst s25  }
0xa6: {  	s5 =	sshll.u32 s26, $0x1;
	_ =	strace $0x80000046;
	[dreg:$0x1] =	wrdreg $0xFFFFFFFF  }
0xa7: {  	s28 =	simm.s32 $_size_execute0_lowered;
	s3 =	sadd.s32 s3, s5;
	[dreg:$0x0] =	wrdreg $0x0  }
0xa8: {  	s5 =	sshll.u32 s28, $0x1;
	[dreg:$0x2] =	wrdreg s3  }
0xa9: {  	[dreg:$0x3] =	wrdreg s5  }
0xaa: {  	[dreg:$0x4] =	wrdreg $0xC0  }
0xab: {  	_ =	task [dreg:s7], $0x5FFFF  }
0xac: {  	[dreg:$0x1] =	wrdreg $0xFFFFFFFF  }
0xad: {  	[dreg:$0x0] =	wrdreg $0x60  }
0xae: {  	[dreg:$0x2] =	wrdreg s2  }
0xaf: {  	[dreg:$0x3] =	wrdreg s24  }
0xb0: {  	[dreg:$0x4] =	wrdreg $0xA8000  }
0xb1: {  	[dreg:$0x5] =	wrdreg $0xA  }
0xb2: {  	_ =	task.clear_ibuf [dreg:s7], $0x6FFFF;
	_ =	strace $0x90000046  }
0xb3: {  	s29 =	simm.s32 $0xA;
	_ =	strace $0x80000048  }
0xb4: {  	_ =	swait.ge [sflag:s29], $0x1  }
0xb5: {  	[sflag:s29] =	ssyncadd.s32 $0xFFFFFFFF  }
0xb6: {  	_ =	strace $0x90000048  }
0xb7: {  	_ =	sfence  }
0xb8: {  	s30 =	sld [smem:$0x0];
	_ =	sdelay $0x2  }
0xb9: {  	s31 =	sshll.u32 s1, $0xD;
	s1 =	sshrl.u32 s1, $0x2  }
0xba: {  	s3 =	sand.u32 $0x4000, s31;
	s1 =	sadd.s32 s1, s30  }
0xbb: {  	s0 =	sor.u32 s3, s0;
	s1 =	sshll.u32 s1, $0x11  }
0xbc: {  	s0 =	sor.u32 s1, s0  }
0xbd: {  	s0 =	sadd.s32 $0x8F2B, s0  }
0xbe: {  	[sflag:s0] =	ssyncadd.remote.s32 $0x1  }
0xbf: {  	_ =	sfence.sel $0xFFFF  }
0xc0: {  	[dreg:$0x0] =	wrdreg $0xFFFFFFFF;
	(pc) =	sbr.abs _section_cstart, $3  }
0xc1: {  	[dreg:$0x1] =	wrdreg $0xFFFFFFFF  }
0xc2: {  	_ =	task.clear_ibuf [dreg:s7], $0x2FFFF;
	_ =	strace $0x9FFFFFFF  }
0xc3: {  	(tm) =	ssettm $0x7FFFFFFF  }
tec
execute0_lowered:
.L_overlay_start_1:
0x0: {  	(tag) =	ssettag $0x1  }
0x1: {  	s0 =	rddreg [dreg:$0x0]  }
0x2: {  	s1 =	rddreg [dreg:$0x1]  }
0x3: {  	s2 =	srdreg.scid;
	s3 =	rddreg [dreg:$0x2]  }
0x4: {  	s10 =	stileid.u32;
	s4 =	simm.s32 $0x0;
	s28 =	simm.s32 $0x3  }
0x5: {  	s29 =	simm.s32 $0x4;
	s30 =	simm.s32 $0x5;
	s7 =	smul.u32 $0x14000, s10  }
0x6: {  	s31 =	simm.s32 $0x6;
	s2 =	sand.u32 $0x1, s2;
	s8 =	smul.u32 $0x50000, s10  }
0x7: {  	[smem:$0x7FF] =	sst s4;
	s5 =	sadd.s32 $0x2E00, s1;
	s6 =	smul.u32 $0x140000, s2  }
0x8: {  	_ =	strace $0x80000047;
	s19 =	ssub.s32 $0x2, s2;
	s2 =	sshll.u32 s2, $0x4  }
0x9: {  	s20 =	sshrl.u32 s19, $0x1;
	s2 =	sor.u32 s10, s2;
	s21 =	sshrl.u32 s8, $0x2  }
0xa: {  	s6 =	sadd.s32 s7, s6;
	s9 =	ssub.s32 s19, s20;
	s7 =	smul.u32 $0xA000, s2  }
0xb: {  	s19 =	simm.s32 $0x2800;
	s20 =	simm.s32 $0x9;
	s6 =	sshrl.u32 s6, $0x3  }
0xc: {  	s2 =	simm.s32 $0x8;
	s22 =	smax.u32 s9, $0x1;
	s1 =	sadd.s32 s6, s1  }
0xd: {  	s6 =	sadd.s32 s21, s3;
	[dreg:$0x5] =	wrdreg s22;
	s21 =	simm.s32 $0x40  }
0xe: {  	s22 =	simm.s32 $0x4800;
	s1 =	sadd.s32 $0x2AE00, s1;
	s23 =	sadd.s32 $0x2000, s6  }
0xf: {  	s24 =	sadd.s32 $0x4000, s6;
	s25 =	sadd.s32 $0x6000, s6;
	[dreg:$0x4] =	wrdreg s1  }
0x10: {  	s26 =	sadd.s32 $0x8000, s6;
	s14 =	sadd.s32 $0xA000, s6;
	[dreg:$0x6] =	wrdreg s23  }
0x11: {  	s15 =	sadd.s32 $0xC000, s6;
	s16 =	sadd.s32 $0xE000, s6;
	[dreg:$0x7] =	wrdreg s24  }
0x12: {  	s17 =	sadd.s32 $0x10000, s6;
	s18 =	sadd.s32 $0x12000, s6;
	[dreg:$0x8] =	wrdreg s25  }
0x13: {  	[dreg:$0x9] =	wrdreg s26;
	s23 =	simm.s32 $0x6800;
	s24 =	simm.s32 $0x8800  }
0x14: {  	v0 =	vimm.f32 $0.0e+00;
	s25 =	simm.s32 $0x1;
	s26 =	simm.s32 $0x2;
	s1 =	simm.s32 $0x7  }
.LBB2_1:
0x15: {  	s8 =	simm.s32 $0x0;
	s9 =	simm.s32 $0x200  }
.LBB2_2:
0x16: {  	p0 =	sne.s32 s9, $0x7E00;
	[tilespmem:s8+$0x2870] =	vst v0  }
0x17: {  	[tilespmem:s8+$0x2800] =	vst v0  }
0x18: {  	[tilespmem:s8+$0x2810] =	vst v0  }
.Ltmp0:
0x19: {  	[tilespmem:s8+$0x2820] =	vst v0;
	(pc) =	sbr.rel @p0 .LBB2_2-.Ltmp0, $4  }
0x1a: {  	[tilespmem:s8+$0x2830] =	vst v0  }
0x1b: {  	[tilespmem:s8+$0x2840] =	vst v0  }
0x1c: {  	[tilespmem:s8+$0x2850] =	vst v0  }
0x1d: {  	[tilespmem:s8+$0x2860] =	vst v0;
	s8 =	sshra.s32 s9, $0x2;
	s9 =	sadd.s32 $0x200, s9  }
0x1e: {  	[tilespmem:s8+$0x2870] =	vst v0  }
0x1f: {  	[tilespmem:s8+$0x2800] =	vst v0  }
0x20: {  	[tilespmem:s8+$0x2810] =	vst v0  }
0x21: {  	[tilespmem:s8+$0x2820] =	vst v0  }
0x22: {  	[tilespmem:s8+$0x2830] =	vst v0  }
0x23: {  	[tilespmem:s8+$0x2840] =	vst v0  }
0x24: {  	[tilespmem:s8+$0x2850] =	vst v0  }
0x25: {  	[tilespmem:s8+$0x2860] =	vst v0  }
0x26: {  	[spmem:s6] =	stream.linear.scatter [tilespmem:s19], [sflag:$0x9], $0x2000, $0x38;
	[tilespmem:$0x1E800] =	vst v63  }
0x27: {  	_ =	swait.ge [sflag:s20], $0x2000  }
0x28: {  	[sflag:s20] =	ssyncset.done $0x0  }
0x29: {  	s10 =	rddreg [dreg:$0x6];
	[sflag:s20] =	ssyncadd.s32 $0xFFFFE000  }
0x2a: {  	[spmem:s10] =	stream.linear.scatter [tilespmem:s19], [sflag:$0x9], $0x2000, $0x38;
	[tilespmem:$0x1E800] =	vst v63  }
0x2b: {  	_ =	swait.ge [sflag:s20], $0x2000  }
0x2c: {  	[sflag:s20] =	ssyncset.done $0x0  }
0x2d: {  	s11 =	rddreg [dreg:$0x7];
	[sflag:s20] =	ssyncadd.s32 $0xFFFFE000  }
0x2e: {  	[spmem:s11] =	stream.linear.scatter [tilespmem:s19], [sflag:$0x9], $0x2000, $0x38;
	[tilespmem:$0x1E800] =	vst v63  }
0x2f: {  	_ =	swait.ge [sflag:s20], $0x2000  }
0x30: {  	[sflag:s20] =	ssyncset.done $0x0  }
0x31: {  	s12 =	rddreg [dreg:$0x8];
	[sflag:s20] =	ssyncadd.s32 $0xFFFFE000  }
0x32: {  	[spmem:s12] =	stream.linear.scatter [tilespmem:s19], [sflag:$0x9], $0x2000, $0x38;
	[tilespmem:$0x1E800] =	vst v63  }
0x33: {  	_ =	swait.ge [sflag:s20], $0x2000  }
0x34: {  	[sflag:s20] =	ssyncset.done $0x0  }
0x35: {  	s13 =	rddreg [dreg:$0x9];
	[sflag:s20] =	ssyncadd.s32 $0xFFFFE000  }
0x36: {  	[spmem:s13] =	stream.linear.scatter [tilespmem:s19], [sflag:$0x9], $0x2000, $0x38;
	[tilespmem:$0x1E800] =	vst v63  }
0x37: {  	_ =	swait.ge [sflag:s20], $0x2000  }
0x38: {  	[sflag:s20] =	ssyncset.done $0x0  }
0x39: {  	[sflag:s20] =	ssyncadd.s32 $0xFFFFE000  }
0x3a: {  	[spmem:s14] =	stream.linear.scatter [tilespmem:s19], [sflag:$0x9], $0x2000, $0x38;
	[tilespmem:$0x1E800] =	vst v63  }
0x3b: {  	_ =	swait.ge [sflag:s20], $0x2000  }
0x3c: {  	[sflag:s20] =	ssyncset.done $0x0  }
0x3d: {  	[sflag:s20] =	ssyncadd.s32 $0xFFFFE000  }
0x3e: {  	[spmem:s15] =	stream.linear.scatter [tilespmem:s19], [sflag:$0x9], $0x2000, $0x38;
	[tilespmem:$0x1E800] =	vst v63  }
0x3f: {  	_ =	swait.ge [sflag:s20], $0x2000  }
0x40: {  	[sflag:s20] =	ssyncset.done $0x0  }
0x41: {  	[sflag:s20] =	ssyncadd.s32 $0xFFFFE000  }
0x42: {  	[spmem:s16] =	stream.linear.scatter [tilespmem:s19], [sflag:$0x9], $0x2000, $0x38;
	[tilespmem:$0x1E800] =	vst v63  }
0x43: {  	_ =	swait.ge [sflag:s20], $0x2000  }
0x44: {  	[sflag:s20] =	ssyncset.done $0x0  }
0x45: {  	[sflag:s20] =	ssyncadd.s32 $0xFFFFE000  }
0x46: {  	[spmem:s17] =	stream.linear.scatter [tilespmem:s19], [sflag:$0x9], $0x2000, $0x38;
	[tilespmem:$0x1E800] =	vst v63  }
0x47: {  	_ =	swait.ge [sflag:s20], $0x2000  }
0x48: {  	[sflag:s20] =	ssyncset.done $0x0  }
0x49: {  	[sflag:s20] =	ssyncadd.s32 $0xFFFFE000  }
0x4a: {  	[spmem:s18] =	stream.linear.scatter [tilespmem:s19], [sflag:$0x9], $0x2000, $0x38;
	[tilespmem:$0x1E800] =	vst v63  }
0x4b: {  	_ =	swait.ge [sflag:s20], $0x2000  }
0x4c: {  	[sflag:s20] =	ssyncset.done $0x0  }
0x4d: {  	[sflag:s20] =	ssyncadd.s32 $0xFFFFE000  }
0x4e: {  	s8 =	simm.s32 $0x0;
	s9 =	simm.s32 $0x0;
	[bflag:$0x0] =	sbarrier.arrive $0xFFFF  }
.LBB2_4:
0x4f: {  	s10 =	smul.u32 $0x2800, s9;
	_ =	sdelay $0x1  }
0x50: {  	s10 =	sadd.s32 s7, s10  }
0x51: {  	s10 =	sshrl.u32 s10, $0x3  }
0x52: {  	s10 =	sadd.s32 s5, s10  }
0x53: {  	[tilespmem:s8], [sflag:$0x9] =	stream.linear.gather [hbm4b:s10+s8], $0x2800, $0x38;
	[tilespmem:$0x1E800] =	vst v63  }
0x54: {  	_ =	swait.ge [sflag:s20], $0x2800  }
0x55: {  	[sflag:s20] =	ssyncset.done $0x0  }
0x56: {  	s12 =	simm.s32 $0x0;
	[sflag:s20] =	ssyncadd.s32 $0xFFFFD800  }
0x57: {  	[tilespmem:s19], [sflag:$0x1] =	stream.indirect.gather [hbm4b:s0+s21], $0x80, s12, s21, $0xb8;
	[tilespmem:$0x1E800] =	vst v63  }
0x58: {  	s13 =	simm.s32 $0x100  }
0x59: {  	[tilespmem:s22], [sflag:$0x2] =	stream.indirect.gather [hbm4b:s0+s21], $0x80, s13, s21, $0xb8;
	[tilespmem:$0x1E800] =	vst v63  }
0x5a: {  	s11 =	simm.s32 $0x200  }
0x5b: {  	[tilespmem:s23], [sflag:$0x3] =	stream.indirect.gather [hbm4b:s0+s21], $0x80, s11, s21, $0xb8;
	[tilespmem:$0x1E800] =	vst v63  }
0x5c: {  	s12 =	simm.s32 $0x300  }
0x5d: {  	[tilespmem:s24], [sflag:$0x4] =	stream.indirect.gather [hbm4b:s0+s21], $0x80, s12, s21, $0xb8;
	[tilespmem:$0x1E800] =	vst v63  }
0x5e: {  	_ =	swait.ge [sflag:s25], $0x2000  }
0x5f: {  	[sflag:s25] =	ssyncset.done $0x0  }
0x60: {  	s13 =	simm.s32 $0x80;
	[sflag:s25] =	ssyncadd.s32 $0xFFFFE000  }
0x61: {  	[spmem:s3] =	stream.indirect.scatter.add.f32 [tilespmem:s19], [sflag:$0x5], $0x80, s13, s21, $0xb8;
	[tilespmem:$0x1E800] =	vst v63  }
0x62: {  	_ =	swait.ge [sflag:s26], $0x2000  }
0x63: {  	[sflag:s26] =	ssyncset.done $0x0  }
0x64: {  	s11 =	simm.s32 $0x180;
	[sflag:s26] =	ssyncadd.s32 $0xFFFFE000  }
0x65: {  	[spmem:s3] =	stream.indirect.scatter.add.f32 [tilespmem:s22], [sflag:$0x6], $0x80, s11, s21, $0xb8;
	[tilespmem:$0x1E800] =	vst v63  }
0x66: {  	_ =	swait.ge [sflag:s28], $0x2000  }
0x67: {  	[sflag:s28] =	ssyncset.done $0x0  }
0x68: {  	s12 =	simm.s32 $0x280;
	[sflag:s28] =	ssyncadd.s32 $0xFFFFE000  }
0x69: {  	[spmem:s3] =	stream.indirect.scatter.add.f32 [tilespmem:s23], [sflag:$0x7], $0x80, s12, s21, $0xb8;
	[tilespmem:$0x1E800] =	vst v63  }
0x6a: {  	_ =	swait.ge [sflag:s29], $0x2000  }
0x6b: {  	[sflag:s29] =	ssyncset.done $0x0  }
0x6c: {  	s13 =	simm.s32 $0x380;
	[sflag:s29] =	ssyncadd.s32 $0xFFFFE000  }
0x6d: {  	[spmem:s3] =	stream.indirect.scatter.add.f32 [tilespmem:s24], [sflag:$0x8], $0x80, s13, s21, $0xb8;
	[tilespmem:$0x1E800] =	vst v63  }
0x6e: {  	_ =	swait.ge [sflag:s30], $0x2000  }
0x6f: {  	[sflag:s30] =	ssyncset.done $0x0  }
0x70: {  	[sflag:s30] =	ssyncadd.s32 $0xFFFFE000  }
0x71: {  	_ =	swait.ge [sflag:s31], $0x2000  }
0x72: {  	[sflag:s31] =	ssyncset.done $0x0  }
0x73: {  	[sflag:s31] =	ssyncadd.s32 $0xFFFFE000  }
0x74: {  	_ =	swait.ge [sflag:s1], $0x2000  }
0x75: {  	[sflag:s1] =	ssyncset.done $0x0  }
0x76: {  	[sflag:s1] =	ssyncadd.s32 $0xFFFFE000  }
0x77: {  	_ =	swait.ge [sflag:s2], $0x2000  }
0x78: {  	s10 =	simm.s32 $0x1000;
	s11 =	simm.s32 $0x2000;
	[sflag:s2] =	ssyncset.done $0x0  }
.LBB2_5:
0x79: {  	s13 =	sshra.s32 s10, $0x2  }
0x7a: {  	[sflag:s2] =	ssyncadd.s32 $0xFFFFE000;
	s10 =	smov.u32 s11;
	s12 =	sadd.s32 $0x1000, s11  }
0x7b: {  	[tilespmem:s19], [sflag:$0x1] =	stream.indirect.gather [hbm4b:s0+s21], $0x80, s13, s21, $0xb8;
	[tilespmem:$0x1E800] =	vst v63  }
0x7c: {  	p0 =	sne.s32 s11, $0x9000;
	s11 =	sadd.s32 $0x100, s13  }
0x7d: {  	[tilespmem:s22], [sflag:$0x2] =	stream.indirect.gather [hbm4b:s0+s21], $0x80, s11, s21, $0xb8;
	[tilespmem:$0x1E800] =	vst v63  }
0x7e: {  	s11 =	sadd.s32 $0x200, s13  }
0x7f: {  	[tilespmem:s23], [sflag:$0x3] =	stream.indirect.gather [hbm4b:s0+s21], $0x80, s11, s21, $0xb8;
	[tilespmem:$0x1E800] =	vst v63  }
0x80: {  	s11 =	sadd.s32 $0x300, s13  }
0x81: {  	[tilespmem:s24], [sflag:$0x4] =	stream.indirect.gather [hbm4b:s0+s21], $0x80, s11, s21, $0xb8;
	[tilespmem:$0x1E800] =	vst v63  }
0x82: {  	_ =	swait.ge [sflag:s25], $0x2000  }
0x83: {  	[sflag:s25] =	ssyncset.done $0x0  }
0x84: {  	s11 =	sadd.s32 $0x80, s13;
	[sflag:s25] =	ssyncadd.s32 $0xFFFFE000  }
0x85: {  	[spmem:s3] =	stream.indirect.scatter.add.f32 [tilespmem:s19], [sflag:$0x5], $0x80, s11, s21, $0xb8;
	[tilespmem:$0x1E800] =	vst v63  }
0x86: {  	_ =	swait.ge [sflag:s26], $0x2000  }
0x87: {  	[sflag:s26] =	ssyncset.done $0x0  }
0x88: {  	s11 =	sadd.s32 $0x180, s13;
	[sflag:s26] =	ssyncadd.s32 $0xFFFFE000  }
0x89: {  	[spmem:s3] =	stream.indirect.scatter.add.f32 [tilespmem:s22], [sflag:$0x6], $0x80, s11, s21, $0xb8;
	[tilespmem:$0x1E800] =	vst v63  }
0x8a: {  	_ =	swait.ge [sflag:s28], $0x2000  }
0x8b: {  	[sflag:s28] =	ssyncset.done $0x0  }
0x8c: {  	s11 =	sadd.s32 $0x280, s13;
	[sflag:s28] =	ssyncadd.s32 $0xFFFFE000  }
0x8d: {  	[spmem:s3] =	stream.indirect.scatter.add.f32 [tilespmem:s23], [sflag:$0x7], $0x80, s11, s21, $0xb8;
	[tilespmem:$0x1E800] =	vst v63  }
0x8e: {  	_ =	swait.ge [sflag:s29], $0x2000  }
0x8f: {  	[sflag:s29] =	ssyncset.done $0x0  }
0x90: {  	s11 =	sadd.s32 $0x380, s13;
	[sflag:s29] =	ssyncadd.s32 $0xFFFFE000  }
0x91: {  	[spmem:s3] =	stream.indirect.scatter.add.f32 [tilespmem:s24], [sflag:$0x8], $0x80, s11, s21, $0xb8;
	[tilespmem:$0x1E800] =	vst v63  }
0x92: {  	_ =	swait.ge [sflag:s30], $0x2000  }
0x93: {  	[sflag:s30] =	ssyncset.done $0x0  }
0x94: {  	[sflag:s30] =	ssyncadd.s32 $0xFFFFE000  }
0x95: {  	_ =	swait.ge [sflag:s31], $0x2000  }
0x96: {  	[sflag:s31] =	ssyncset.done $0x0  }
0x97: {  	[sflag:s31] =	ssyncadd.s32 $0xFFFFE000  }
.Ltmp1:
0x98: {  	_ =	swait.ge [sflag:s1], $0x2000;
	(pc) =	sbr.rel @p0 .LBB2_5-.Ltmp1, $4  }
0x99: {  	[sflag:s1] =	ssyncset.done $0x0  }
0x9a: {  	[sflag:s1] =	ssyncadd.s32 $0xFFFFE000  }
0x9b: {  	_ =	swait.ge [sflag:s2], $0x2000  }
0x9c: {  	s11 =	smov.u32 s12;
	[sflag:s2] =	ssyncset.done $0x0  }
0x9d: {  	s10 =	sshra.s32 s10, $0x2;
	[sflag:s2] =	ssyncadd.s32 $0xFFFFE000  }
0x9e: {  	[tilespmem:s19], [sflag:$0x1] =	stream.indirect.gather [hbm4b:s0+s21], $0x80, s10, s21, $0xb8;
	[tilespmem:$0x1E800] =	vst v63  }
0x9f: {  	s11 =	sadd.s32 $0x100, s10  }
0xa0: {  	[tilespmem:s22], [sflag:$0x2] =	stream.indirect.gather [hbm4b:s0+s21], $0x80, s11, s21, $0xb8;
	[tilespmem:$0x1E800] =	vst v63  }
0xa1: {  	s13 =	sadd.s32 $0x200, s10  }
0xa2: {  	[tilespmem:s23], [sflag:$0x3] =	stream.indirect.gather [hbm4b:s0+s21], $0x80, s13, s21, $0xb8;
	[tilespmem:$0x1E800] =	vst v63  }
0xa3: {  	s12 =	sadd.s32 $0x300, s10  }
0xa4: {  	[tilespmem:s24], [sflag:$0x4] =	stream.indirect.gather [hbm4b:s0+s21], $0x80, s12, s21, $0xb8;
	[tilespmem:$0x1E800] =	vst v63  }
0xa5: {  	_ =	swait.ge [sflag:s25], $0x2000  }
0xa6: {  	[sflag:s25] =	ssyncset.done $0x0  }
0xa7: {  	s13 =	sadd.s32 $0x80, s10;
	[sflag:s25] =	ssyncadd.s32 $0xFFFFE000  }
0xa8: {  	[spmem:s3] =	stream.indirect.scatter.add.f32 [tilespmem:s19], [sflag:$0x5], $0x80, s13, s21, $0xb8;
	[tilespmem:$0x1E800] =	vst v63  }
0xa9: {  	_ =	swait.ge [sflag:s26], $0x2000  }
0xaa: {  	[sflag:s26] =	ssyncset.done $0x0  }
0xab: {  	s12 =	sadd.s32 $0x180, s10;
	[sflag:s26] =	ssyncadd.s32 $0xFFFFE000  }
0xac: {  	[spmem:s3] =	stream.indirect.scatter.add.f32 [tilespmem:s22], [sflag:$0x6], $0x80, s12, s21, $0xb8;
	[tilespmem:$0x1E800] =	vst v63  }
0xad: {  	_ =	swait.ge [sflag:s28], $0x2000  }
0xae: {  	[sflag:s28] =	ssyncset.done $0x0  }
0xaf: {  	s13 =	sadd.s32 $0x280, s10;
	[sflag:s28] =	ssyncadd.s32 $0xFFFFE000  }
0xb0: {  	[spmem:s3] =	stream.indirect.scatter.add.f32 [tilespmem:s23], [sflag:$0x7], $0x80, s13, s21, $0xb8;
	[tilespmem:$0x1E800] =	vst v63  }
0xb1: {  	_ =	swait.ge [sflag:s29], $0x2000  }
0xb2: {  	[sflag:s29] =	ssyncset.done $0x0  }
0xb3: {  	s10 =	sadd.s32 $0x380, s10;
	[sflag:s29] =	ssyncadd.s32 $0xFFFFE000  }
0xb4: {  	[spmem:s3] =	stream.indirect.scatter.add.f32 [tilespmem:s24], [sflag:$0x8], $0x80, s10, s21, $0xb8;
	[tilespmem:$0x1E800] =	vst v63  }
0xb5: {  	_ =	swait.ge [sflag:s30], $0x2000  }
0xb6: {  	[sflag:s30] =	ssyncset.done $0x0  }
0xb7: {  	[sflag:s30] =	ssyncadd.s32 $0xFFFFE000  }
0xb8: {  	_ =	swait.ge [sflag:s31], $0x2000  }
0xb9: {  	[sflag:s31] =	ssyncset.done $0x0  }
0xba: {  	s9 =	sadd.s32 $0x1, s9;
	[sflag:s31] =	ssyncadd.s32 $0xFFFFE000  }
0xbb: {  	p0 =	sne.s32 s9, $0x4;
	_ =	swait.ge [sflag:s1], $0x2000  }
.Ltmp2:
0xbc: {  	[sflag:s1] =	ssyncset.done $0x0;
	(pc) =	sbr.rel @p0 .LBB2_4-.Ltmp2, $4  }
0xbd: {  	[sflag:s1] =	ssyncadd.s32 $0xFFFFE000  }
0xbe: {  	_ =	swait.ge [sflag:s2], $0x2000  }
0xbf: {  	[sflag:s2] =	ssyncset.done $0x0  }
0xc0: {  	[sflag:s2] =	ssyncadd.s32 $0xFFFFE000  }
0xc1: {  	s8 =	stileid.u32  }
0xc2: {  	[bflag:$0x0] =	sbarrier.arrive $0xFFFF;
	s8 =	sshll.u32 s8, $0x6  }
0xc3: {  	s9 =	sshrl.u32 s6, $0x3;
	s10 =	rddreg [dreg:$0x4];
	s8 =	sor.u32 $0x1C09, s8  }
0xc4: {  	[hbm:s10], [sflag:s8] =	dma.local [spmem:s9], $0x2800  }
0xc5: {  	_ =	swait.ge [sflag:s20], $0x2800  }
0xc6: {  	s4 =	sadd.s32 $0x1, s4;
	s13 =	rddreg [dreg:$0x5]  }
0xc7: {  	p0 =	sne.s32 s4, s13  }
.Ltmp3:
0xc8: {  	_ = 	snop;
	(pc) =	sbr.rel @p0 .LBB2_1-.Ltmp3, $3  }
0xc9: {  	_ =	sdelay $0x1  }
0xca: {  	[sflag:s20] =	ssyncset.done $0x0  }
0xcb: {  	[sflag:s20] =	ssyncadd.s32 $0xFFFFD800  }
0xcc: {  	_ =	sfence.sel $0x180000  }
0xcd: {  	[bflag:$0x0] =	sbarrier.arrive $0xFFFF  }
0xce: {  	_ =	strace $0x90000047  }
0xcf: {  	s0 =	stileid.u32;
	[bflag:$0x2] =	sbarrier.arrive $0xFFFF  }
0xd0: {  	p0 =	sne.s32 s0, $0x0;
	s0 =	rddreg [dreg:$0x3]  }
0xd1: {  	s0 =	sadd.s32 @!p0 $0x100000, s0  }
0xd2: {  	[sflag:s0] =	ssyncadd.tile.s32 @!p0 $0x1;
	_ =	shalt  }
.Lfunc_end2:
_tile_overlayer_lowered:
.L_overlay_start_2:
0xd3: {  	(tag) =	ssettag $0x2  }
0xd4: {  	s0 =	rddreg [dreg:$0x0];
	s2 =	stileid.u32  }
0xd5: {  	s1 =	rddreg [dreg:$0x1];
	p0 =	sne.s32 s2, $0x0  }
0xd6: {  	s3 =	rddreg [dreg:$0x2];
	[bflag:$0x3] =	sbarrier.arrive $0xFFFF;
	s2 =	simm.s32 @!p0 $0x1C09  }
0xd7: {  	[timem:s3], [sflag:s2] =	dma.local @!p0 [hbm:s0], s1  }
0xd8: {  	s0 =	simm.s32 @!p0 $0x9  }
0xd9: {  	_ =	swait.ge @!p0 [sflag:s0], s1  }
0xda: {  	s1 =	ssub.s32 @!p0 $0x0, s1;
	[sflag:s0] =	ssyncset.done @!p0 $0x0  }
0xdb: {  	[sflag:s0] =	ssyncadd.s32 @!p0 s1  }
0xdc: {  	[bflag:$0x3] =	sbarrier.arrive $0xFFFF  }
0xdd: {  	_ =	shalt  }

// kernel: kernel.14.cloned.1.call-start
scs
__scs_entry_jumppad:
0x0: {  	(pc) =	sbr.rel $0x88, $3  }
0x1: {  	(tag) =	ssettag $0x0;
	lr =	simm.s32 $0x1  }
0x2: {  	[smem:$0x3F99] =	sst lr;
	_ =	strace $0xD0000000  }
0x3: {  	_ = 	snop  }
0x4: {  	_ = 	snop  }
0x5: {  	_ = 	snop  }
0x6: {  	_ = 	snop  }
0x7: {  	_ = 	snop  }
__scs_overlays_trampoline_lowered:
0x8: {  	[smem:$0x3FA8] =	sst s0  }
0x9: {  	[smem:$0x3FA9] =	sst s1  }
0xa: {  	[smem:$0x3FAA] =	sst s2  }
0xb: {  	[smem:$0x3FAB] =	sst s3  }
0xc: {  	[smem:$0x3FAC] =	sst s4  }
0xd: {  	[smem:$0x3FAD] =	sst s5  }
0xe: {  	[smem:$0x3FAE] =	sst s6  }
0xf: {  	[smem:$0x3FAF] =	sst s7  }
0x10: {  	[smem:$0x3FB0] =	sst s8  }
0x11: {  	[smem:$0x3FB1] =	sst s9;
	s0 =	simm.s32 @!p0 $0x0  }
0x12: {  	s1 =	sld [smem:$0x3F97];
	s0 =	simm.s32 @p0 $0x1  }
0x13: {  	[smem:$0x3FB2] =	sst s0;
	s0 =	simm.s32 @!p1 $0x0  }
0x14: {  	s2 =	sld [smem:$0x3F96];
	s0 =	simm.s32 @p1 $0x1  }
0x15: {  	[smem:$0x3FB3] =	sst s0;
	s0 =	simm.s32 @!p2 $0x0  }
0x16: {  	s3 =	sld [smem:$0x3FDB];
	s0 =	simm.s32 @p2 $0x1  }
0x17: {  	s4 =	simm.s32 $0x1BF5;
	[smem:$0x3FB5] =	sst s0  }
0x18: {  	s0 =	sld [smem:$0x3F98];
	_ =	swait.ge [sflag:s4], $0x0  }
0x19: {  	s7 =	sld [smem:$0x3F99]  }
0x1a: {  	s8 =	sadd.s32 $0xFFFFE003, lr  }
0x1b: {  	s9 =	sadd.s32 $0xFFFFFEF7, lr;
	s5 =	simm.s32 $0xFFFFFFFF;
	p2 =	slt.u32 s8, $0xFFFFF086  }
0x1c: {  	p1 =	slt.u32 s9, $0xF7A;
	s5 =	simm.s32 @!p2 $0x0  }
0x1d: {  	s5 =	simm.s32 @p1 $0x1;
	p0 =	seq.s32 s7, s2  }
0x1e: {  	s7 =	smul.u32 @!p0 $0xF7A, s2;
	p2 =	seq.s32 @!p0 s5, $0x0  }
0x1f: {  	s9 =	smul.u32 $0xF7A, s1;
	s8 =	simm.s32 @!p0 $0x1BF5;
	p2 =	por !p2, p0  }
0x20: {  	[sflag:s8] =	ssyncset.s32 @!p0 $0xFFFFF086;
	s6 =	sadd.s32 @!p0 s3, s7;
	s7 =	simm.s32 @!p0 $0x108  }
0x21: {  	s3 =	sadd.s32 s3, s9;
	s6 =	sadd.s32 @!p0 $0x88, s6;
	s7 =	simm.s32 @p2 $0x1082  }
0x22: {  	[simem:s7], [sflag:s8] =	dma.local @!p0 [hbm:s6], $0xF7A  }
0x23: {  	s9 =	sor.u32 $0xD0000000, s2;
	s6 =	simm.s32 $0x108;
	_ =	swait.ge @!p0 [sflag:s8], $0x0  }
0x24: {  	s3 =	sadd.s32 $0x88, s3;
	s6 =	simm.s32 @!p1 $0x1082;
	[sflag:s4] =	ssyncset.s32 $0xFFFFF086  }
0x25: {  	[simem:s6], [sflag:s4] =	dma.local [hbm:s3], $0xF7A  }
0x26: {  	[smem:$0x3F99] =	sst s1;
	(tag) =	ssettag s2;
	_ =	strace s9  }
0x27: {  	s1 =	sld [smem:$0x3FA9]  }
0x28: {  	s2 =	sld [smem:$0x3FAA]  }
0x29: {  	s4 =	sld [smem:$0x3FAC]  }
0x2a: {  	p0 =	seq.s32 s5, $0x0;
	s5 =	sld [smem:$0x3FAD]  }
0x2b: {  	s6 =	sld [smem:$0x3FAE]  }
0x2c: {  	s7 =	sld [smem:$0x3FAF]  }
0x2d: {  	s3 =	simm.s32 $0x108;
	s8 =	sld [smem:$0x3FB0]  }
0x2e: {  	s3 =	simm.s32 @!p0 $0x1082;
	s9 =	sld [smem:$0x3FB1]  }
0x2f: {  	lr =	sadd.s32 s0, s3;
	s0 =	sld [smem:$0x3FA8]  }
0x30: {  	s3 =	sld [smem:$0x3FAB]  }
0x31: {  	[smem:$0x3FB4] =	sst s10  }
0x32: {  	s10 =	sld [smem:$0x3FB2];
	_ =	sdelay $0x3  }
0x33: {  	p0 =	seq.s32 s10, $0x1;
	s10 =	sld [smem:$0x3FB4];
	_ =	sdelay $0x3  }
0x34: {  	[smem:$0x3FB4] =	sst s10  }
0x35: {  	s10 =	sld [smem:$0x3FB3];
	_ =	sdelay $0x3  }
0x36: {  	p1 =	seq.s32 s10, $0x1;
	s10 =	sld [smem:$0x3FB4];
	_ =	sdelay $0x3  }
0x37: {  	[smem:$0x3FB4] =	sst s10  }
0x38: {  	s10 =	sld [smem:$0x3FB5]  }
0x39: {  	_ = 	snop;
	(pc) =	sbr.ind lr, $3  }
0x3a: {  	_ = 	snop  }
0x3b: {  	_ = 	snop  }
0x3c: {  	p2 =	seq.s32 s10, $0x1;
	s10 =	sld [smem:$0x3FB4]  }
0x3d: {  	_ =	shalt  }
0x3e: {  	_ =	shalt  }
0x3f: {  	_ =	shalt  }
0x40: {  	_ =	shalt  }
0x41: {  	_ =	shalt  }
0x42: {  	_ =	shalt  }
0x43: {  	_ =	shalt  }
0x44: {  	_ =	shalt  }
0x45: {  	_ =	shalt  }
0x46: {  	_ =	shalt  }
0x47: {  	_ =	shalt  }
0x48: {  	_ =	shalt  }
0x49: {  	_ =	shalt  }
0x4a: {  	_ =	shalt  }
0x4b: {  	_ =	shalt  }
0x4c: {  	_ =	shalt  }
0x4d: {  	_ =	shalt  }
0x4e: {  	_ =	shalt  }
0x4f: {  	_ =	shalt  }
0x50: {  	_ =	shalt  }
0x51: {  	_ =	shalt  }
0x52: {  	_ =	shalt  }
0x53: {  	_ =	shalt  }
0x54: {  	_ =	shalt  }
0x55: {  	_ =	shalt  }
0x56: {  	_ =	shalt  }
0x57: {  	_ =	shalt  }
0x58: {  	_ =	shalt  }
0x59: {  	_ =	shalt  }
0x5a: {  	_ =	shalt  }
0x5b: {  	_ =	shalt  }
0x5c: {  	_ =	shalt  }
0x5d: {  	_ =	shalt  }
0x5e: {  	_ =	shalt  }
0x5f: {  	_ =	shalt  }
0x60: {  	_ =	shalt  }
0x61: {  	_ =	shalt  }
0x62: {  	_ =	shalt  }
0x63: {  	_ =	shalt  }
0x64: {  	_ =	shalt  }
0x65: {  	_ =	shalt  }
0x66: {  	_ =	shalt  }
0x67: {  	_ =	shalt  }
0x68: {  	_ =	shalt  }
0x69: {  	_ =	shalt  }
0x6a: {  	_ =	shalt  }
0x6b: {  	_ =	shalt  }
0x6c: {  	_ =	shalt  }
0x6d: {  	_ =	shalt  }
0x6e: {  	_ =	shalt  }
0x6f: {  	_ =	shalt  }
0x70: {  	_ =	shalt  }
0x71: {  	_ =	shalt  }
0x72: {  	_ =	shalt  }
0x73: {  	_ =	shalt  }
0x74: {  	_ =	shalt  }
0x75: {  	_ =	shalt  }
0x76: {  	_ =	shalt  }
0x77: {  	_ =	shalt  }
0x78: {  	_ =	shalt  }
0x79: {  	_ =	shalt  }
0x7a: {  	_ =	shalt  }
0x7b: {  	_ =	shalt  }
0x7c: {  	_ =	shalt  }
0x7d: {  	_ =	shalt  }
0x7e: {  	_ =	shalt  }
0x7f: {  	_ =	shalt  }
0x80: {  	_ =	shalt  }
0x81: {  	_ =	shalt  }
0x82: {  	_ =	shalt  }
0x83: {  	_ =	shalt  }
0x84: {  	_ =	shalt  }
0x85: {  	_ =	shalt  }
0x86: {  	_ =	shalt  }
0x87: {  	_ =	shalt  }
.Lfunc_end0:
.L_simem_size_0:
called_computation.2_lowered:
.L_overlay_start_0:
0x88: {  	s2 =	sld [smem:$0x3FD9]  }
0x89: {  	s3 =	sld [smem:$0x3FFE];
	_ =	sdelay $0x1  }
0x8a: {  	s1 =	srdreg.scid  }
0x8b: {  	s0 =	sand.u32 $0x1, s1  }
0x8c: {  	s17 =	sshll.u32 s0, $0xA;
	s2 =	sadd.s32 s3, s2  }
0x8d: {  	s2 =	sadd.s32 s2, s17  }
0x8e: {  	[smem:$0x3FC0] =	sst s2  }
0x8f: {  	_ = 	snop  }
0x90: {  	s2 =	sld [smem:$0x3FD0];
	(tm) =	ssettm $0x1  }
0x91: {  	s18 =	sld [smem:$0x3FFB];
	_ =	sdelay $0x3  }
0x92: {  	_ =	strace s18  }
0x93: {  	s3 =	sld [smem:$0x3FFC];
	_ =	sdelay $0x3  }
0x94: {  	_ =	strace s3  }
0x95: {  	s3 =	sld [smem:$0x3FFD];
	_ =	sdelay $0x3  }
0x96: {  	_ =	strace s3  }
0x97: {  	_ =	strace $0x8FFFFFFF  }
0x98: {  	s19 =	sld [smem:$0x3FDB];
	_ =	sdelay $0x1  }
0x99: {  	s4 =	simm.s32 $_scs_section_size  }
0x9a: {  	s5 =	simm.s32 $_size__tile_overlayer_lowered;
	s6 =	simm.s32 $_tile_overlayer_lowered  }
0x9b: {  	s22 =	simm.s32 $0x1BFF;
	s21 =	sshll.u32 s6, $0x1;
	s3 =	sadd.s32 s4, s19  }
0x9c: {  	s7 =	simm.s32 $0x0;
	s20 =	sshll.u32 s5, $0x1;
	s5 =	sadd.s32 s21, s3  }
0x9d: {  	[timem:s7], [sflag:s22] =	dma.local [hbm:s5], s20  }
0x9e: {  	_ =	swait.ge [sflag:s22], s20  }
0x9f: {  	s4 =	ssub.s32 $0x0, s20;
	[sflag:s22] =	ssyncset.done $0x0  }
0xa0: {  	[sflag:s22] =	ssyncadd.s32 s4;
	_ =	sdelay $0x1  }
0xa1: {  	s23 =	simm.s32 $0x1B8B  }
0xa2: {  	_ =	swait.ge [sflag:s23], $0x1  }
0xa3: {  	[sflag:s23] =	ssyncset.done $0x0  }
0xa4: {  	s25 =	simm.s32 $0x1B8E;
	s24 =	sld [smem:$0x3FFE];
	[sflag:s23] =	ssyncadd.s32 $0xFFFFFFFF  }
0xa5: {  	s26 =	simm.s32 $execute0_lowered;
	[smem:$0x3FD2] =	sst s25  }
0xa6: {  	s5 =	sshll.u32 s26, $0x1;
	_ =	strace $0x8000004C;
	[dreg:$0x1] =	wrdreg $0xFFFFFFFF  }
0xa7: {  	s28 =	simm.s32 $_size_execute0_lowered;
	s3 =	sadd.s32 s3, s5;
	[dreg:$0x0] =	wrdreg $0x0  }
0xa8: {  	s5 =	sshll.u32 s28, $0x1;
	[dreg:$0x2] =	wrdreg s3  }
0xa9: {  	[dreg:$0x3] =	wrdreg s5  }
0xaa: {  	[dreg:$0x4] =	wrdreg $0xC0  }
0xab: {  	_ =	task [dreg:s7], $0x5FFFF  }
0xac: {  	[dreg:$0x1] =	wrdreg $0xFFFFFFFF  }
0xad: {  	[dreg:$0x0] =	wrdreg $0x60  }
0xae: {  	[dreg:$0x2] =	wrdreg s2  }
0xaf: {  	[dreg:$0x3] =	wrdreg s24  }
0xb0: {  	[dreg:$0x4] =	wrdreg $0xA8000  }
0xb1: {  	[dreg:$0x5] =	wrdreg $0x9  }
0xb2: {  	_ =	task.clear_ibuf [dreg:s7], $0x6FFFF;
	_ =	strace $0x9000004C  }
0xb3: {  	s29 =	simm.s32 $0x9;
	_ =	strace $0x8000004E  }
0xb4: {  	_ =	swait.ge [sflag:s29], $0x1  }
0xb5: {  	[sflag:s29] =	ssyncadd.s32 $0xFFFFFFFF  }
0xb6: {  	_ =	strace $0x9000004E  }
0xb7: {  	_ =	sfence  }
0xb8: {  	s30 =	sld [smem:$0x0];
	_ =	sdelay $0x2  }
0xb9: {  	s31 =	sshll.u32 s1, $0xD;
	s1 =	sshrl.u32 s1, $0x2  }
0xba: {  	s3 =	sand.u32 $0x4000, s31;
	s1 =	sadd.s32 s1, s30  }
0xbb: {  	s0 =	sor.u32 s3, s0;
	s1 =	sshll.u32 s1, $0x11  }
0xbc: {  	s0 =	sor.u32 s1, s0  }
0xbd: {  	s0 =	sadd.s32 $0x8F2B, s0  }
0xbe: {  	[sflag:s0] =	ssyncadd.remote.s32 $0x1  }
0xbf: {  	_ =	sfence.sel $0xFFFF  }
0xc0: {  	[dreg:$0x0] =	wrdreg $0xFFFFFFFF;
	(pc) =	sbr.abs _section_cstart, $3  }
0xc1: {  	[dreg:$0x1] =	wrdreg $0xFFFFFFFF  }
0xc2: {  	_ =	task.clear_ibuf [dreg:s7], $0x2FFFF;
	_ =	strace $0x9FFFFFFF  }
0xc3: {  	(tm) =	ssettm $0x7FFFFFFF  }
tec
execute0_lowered:
.L_overlay_start_1:
0x0: {  	(tag) =	ssettag $0x1  }
0x1: {  	s0 =	rddreg [dreg:$0x0]  }
0x2: {  	s1 =	rddreg [dreg:$0x1]  }
0x3: {  	s2 =	srdreg.scid;
	s3 =	rddreg [dreg:$0x2]  }
0x4: {  	s10 =	stileid.u32;
	s4 =	simm.s32 $0x0;
	s28 =	simm.s32 $0x3  }
0x5: {  	s29 =	simm.s32 $0x4;
	s30 =	simm.s32 $0x5;
	s7 =	smul.u32 $0x14000, s10  }
0x6: {  	s31 =	simm.s32 $0x6;
	s2 =	sand.u32 $0x1, s2;
	s8 =	smul.u32 $0x50000, s10  }
0x7: {  	[smem:$0x7FF] =	sst s4;
	s5 =	sadd.s32 $0x2E00, s1;
	s6 =	smul.u32 $0x140000, s2  }
0x8: {  	_ =	strace $0x8000004D;
	s19 =	ssub.s32 $0x2, s2;
	s2 =	sshll.u32 s2, $0x4  }
0x9: {  	s20 =	sshrl.u32 s19, $0x1;
	s2 =	sor.u32 s10, s2;
	s21 =	sshrl.u32 s8, $0x2  }
0xa: {  	s6 =	sadd.s32 s7, s6;
	s9 =	ssub.s32 s19, s20;
	s7 =	smul.u32 $0xA000, s2  }
0xb: {  	s19 =	simm.s32 $0x2800;
	s20 =	simm.s32 $0x9;
	s6 =	sshrl.u32 s6, $0x3  }
0xc: {  	s2 =	simm.s32 $0x8;
	s22 =	smax.u32 s9, $0x1;
	s1 =	sadd.s32 s6, s1  }
0xd: {  	s6 =	sadd.s32 s21, s3;
	[dreg:$0x5] =	wrdreg s22;
	s21 =	simm.s32 $0x40  }
0xe: {  	s22 =	simm.s32 $0x4800;
	s1 =	sadd.s32 $0x2AE00, s1;
	s23 =	sadd.s32 $0x2000, s6  }
0xf: {  	s24 =	sadd.s32 $0x4000, s6;
	s25 =	sadd.s32 $0x6000, s6;
	[dreg:$0x4] =	wrdreg s1  }
0x10: {  	s26 =	sadd.s32 $0x8000, s6;
	s14 =	sadd.s32 $0xA000, s6;
	[dreg:$0x6] =	wrdreg s23  }
0x11: {  	s15 =	sadd.s32 $0xC000, s6;
	s16 =	sadd.s32 $0xE000, s6;
	[dreg:$0x7] =	wrdreg s24  }
0x12: {  	s17 =	sadd.s32 $0x10000, s6;
	s18 =	sadd.s32 $0x12000, s6;
	[dreg:$0x8] =	wrdreg s25  }
0x13: {  	[dreg:$0x9] =	wrdreg s26;
	s23 =	simm.s32 $0x6800;
	s24 =	simm.s32 $0x8800  }
0x14: {  	v0 =	vimm.f32 $0.0e+00;
	s25 =	simm.s32 $0x1;
	s26 =	simm.s32 $0x2;
	s1 =	simm.s32 $0x7  }
.LBB2_1:
0x15: {  	s8 =	simm.s32 $0x0;
	s9 =	simm.s32 $0x200  }
.LBB2_2:
0x16: {  	p0 =	sne.s32 s9, $0x7E00;
	[tilespmem:s8+$0x2870] =	vst v0  }
0x17: {  	[tilespmem:s8+$0x2800] =	vst v0  }
0x18: {  	[tilespmem:s8+$0x2810] =	vst v0  }
.Ltmp0:
0x19: {  	[tilespmem:s8+$0x2820] =	vst v0;
	(pc) =	sbr.rel @p0 .LBB2_2-.Ltmp0, $4  }
0x1a: {  	[tilespmem:s8+$0x2830] =	vst v0  }
0x1b: {  	[tilespmem:s8+$0x2840] =	vst v0  }
0x1c: {  	[tilespmem:s8+$0x2850] =	vst v0  }
0x1d: {  	[tilespmem:s8+$0x2860] =	vst v0;
	s8 =	sshra.s32 s9, $0x2;
	s9 =	sadd.s32 $0x200, s9  }
0x1e: {  	[tilespmem:s8+$0x2870] =	vst v0  }
0x1f: {  	[tilespmem:s8+$0x2800] =	vst v0  }
0x20: {  	[tilespmem:s8+$0x2810] =	vst v0  }
0x21: {  	[tilespmem:s8+$0x2820] =	vst v0  }
0x22: {  	[tilespmem:s8+$0x2830] =	vst v0  }
0x23: {  	[tilespmem:s8+$0x2840] =	vst v0  }
0x24: {  	[tilespmem:s8+$0x2850] =	vst v0  }
0x25: {  	[tilespmem:s8+$0x2860] =	vst v0  }
0x26: {  	[spmem:s6] =	stream.linear.scatter [tilespmem:s19], [sflag:$0x9], $0x2000, $0x38;
	[tilespmem:$0x1E800] =	vst v63  }
0x27: {  	_ =	swait.ge [sflag:s20], $0x2000  }
0x28: {  	[sflag:s20] =	ssyncset.done $0x0  }
0x29: {  	s10 =	rddreg [dreg:$0x6];
	[sflag:s20] =	ssyncadd.s32 $0xFFFFE000  }
0x2a: {  	[spmem:s10] =	stream.linear.scatter [tilespmem:s19], [sflag:$0x9], $0x2000, $0x38;
	[tilespmem:$0x1E800] =	vst v63  }
0x2b: {  	_ =	swait.ge [sflag:s20], $0x2000  }
0x2c: {  	[sflag:s20] =	ssyncset.done $0x0  }
0x2d: {  	s11 =	rddreg [dreg:$0x7];
	[sflag:s20] =	ssyncadd.s32 $0xFFFFE000  }
0x2e: {  	[spmem:s11] =	stream.linear.scatter [tilespmem:s19], [sflag:$0x9], $0x2000, $0x38;
	[tilespmem:$0x1E800] =	vst v63  }
0x2f: {  	_ =	swait.ge [sflag:s20], $0x2000  }
0x30: {  	[sflag:s20] =	ssyncset.done $0x0  }
0x31: {  	s12 =	rddreg [dreg:$0x8];
	[sflag:s20] =	ssyncadd.s32 $0xFFFFE000  }
0x32: {  	[spmem:s12] =	stream.linear.scatter [tilespmem:s19], [sflag:$0x9], $0x2000, $0x38;
	[tilespmem:$0x1E800] =	vst v63  }
0x33: {  	_ =	swait.ge [sflag:s20], $0x2000  }
0x34: {  	[sflag:s20] =	ssyncset.done $0x0  }
0x35: {  	s13 =	rddreg [dreg:$0x9];
	[sflag:s20] =	ssyncadd.s32 $0xFFFFE000  }
0x36: {  	[spmem:s13] =	stream.linear.scatter [tilespmem:s19], [sflag:$0x9], $0x2000, $0x38;
	[tilespmem:$0x1E800] =	vst v63  }
0x37: {  	_ =	swait.ge [sflag:s20], $0x2000  }
0x38: {  	[sflag:s20] =	ssyncset.done $0x0  }
0x39: {  	[sflag:s20] =	ssyncadd.s32 $0xFFFFE000  }
0x3a: {  	[spmem:s14] =	stream.linear.scatter [tilespmem:s19], [sflag:$0x9], $0x2000, $0x38;
	[tilespmem:$0x1E800] =	vst v63  }
0x3b: {  	_ =	swait.ge [sflag:s20], $0x2000  }
0x3c: {  	[sflag:s20] =	ssyncset.done $0x0  }
0x3d: {  	[sflag:s20] =	ssyncadd.s32 $0xFFFFE000  }
0x3e: {  	[spmem:s15] =	stream.linear.scatter [tilespmem:s19], [sflag:$0x9], $0x2000, $0x38;
	[tilespmem:$0x1E800] =	vst v63  }
0x3f: {  	_ =	swait.ge [sflag:s20], $0x2000  }
0x40: {  	[sflag:s20] =	ssyncset.done $0x0  }
0x41: {  	[sflag:s20] =	ssyncadd.s32 $0xFFFFE000  }
0x42: {  	[spmem:s16] =	stream.linear.scatter [tilespmem:s19], [sflag:$0x9], $0x2000, $0x38;
	[tilespmem:$0x1E800] =	vst v63  }
0x43: {  	_ =	swait.ge [sflag:s20], $0x2000  }
0x44: {  	[sflag:s20] =	ssyncset.done $0x0  }
0x45: {  	[sflag:s20] =	ssyncadd.s32 $0xFFFFE000  }
0x46: {  	[spmem:s17] =	stream.linear.scatter [tilespmem:s19], [sflag:$0x9], $0x2000, $0x38;
	[tilespmem:$0x1E800] =	vst v63  }
0x47: {  	_ =	swait.ge [sflag:s20], $0x2000  }
0x48: {  	[sflag:s20] =	ssyncset.done $0x0  }
0x49: {  	[sflag:s20] =	ssyncadd.s32 $0xFFFFE000  }
0x4a: {  	[spmem:s18] =	stream.linear.scatter [tilespmem:s19], [sflag:$0x9], $0x2000, $0x38;
	[tilespmem:$0x1E800] =	vst v63  }
0x4b: {  	_ =	swait.ge [sflag:s20], $0x2000  }
0x4c: {  	[sflag:s20] =	ssyncset.done $0x0  }
0x4d: {  	[sflag:s20] =	ssyncadd.s32 $0xFFFFE000  }
0x4e: {  	s8 =	simm.s32 $0x0;
	s9 =	simm.s32 $0x0;
	[bflag:$0x0] =	sbarrier.arrive $0xFFFF  }
.LBB2_4:
0x4f: {  	s10 =	smul.u32 $0x2800, s9;
	_ =	sdelay $0x1  }
0x50: {  	s10 =	sadd.s32 s7, s10  }
0x51: {  	s10 =	sshrl.u32 s10, $0x3  }
0x52: {  	s10 =	sadd.s32 s5, s10  }
0x53: {  	[tilespmem:s8], [sflag:$0x9] =	stream.linear.gather [hbm4b:s10+s8], $0x2800, $0x38;
	[tilespmem:$0x1E800] =	vst v63  }
0x54: {  	_ =	swait.ge [sflag:s20], $0x2800  }
0x55: {  	[sflag:s20] =	ssyncset.done $0x0  }
0x56: {  	s12 =	simm.s32 $0x0;
	[sflag:s20] =	ssyncadd.s32 $0xFFFFD800  }
0x57: {  	[tilespmem:s19], [sflag:$0x1] =	stream.indirect.gather [hbm4b:s0+s21], $0x80, s12, s21, $0xb8;
	[tilespmem:$0x1E800] =	vst v63  }
0x58: {  	s13 =	simm.s32 $0x100  }
0x59: {  	[tilespmem:s22], [sflag:$0x2] =	stream.indirect.gather [hbm4b:s0+s21], $0x80, s13, s21, $0xb8;
	[tilespmem:$0x1E800] =	vst v63  }
0x5a: {  	s11 =	simm.s32 $0x200  }
0x5b: {  	[tilespmem:s23], [sflag:$0x3] =	stream.indirect.gather [hbm4b:s0+s21], $0x80, s11, s21, $0xb8;
	[tilespmem:$0x1E800] =	vst v63  }
0x5c: {  	s12 =	simm.s32 $0x300  }
0x5d: {  	[tilespmem:s24], [sflag:$0x4] =	stream.indirect.gather [hbm4b:s0+s21], $0x80, s12, s21, $0xb8;
	[tilespmem:$0x1E800] =	vst v63  }
0x5e: {  	_ =	swait.ge [sflag:s25], $0x2000  }
0x5f: {  	[sflag:s25] =	ssyncset.done $0x0  }
0x60: {  	s13 =	simm.s32 $0x80;
	[sflag:s25] =	ssyncadd.s32 $0xFFFFE000  }
0x61: {  	[spmem:s3] =	stream.indirect.scatter.add.f32 [tilespmem:s19], [sflag:$0x5], $0x80, s13, s21, $0xb8;
	[tilespmem:$0x1E800] =	vst v63  }
0x62: {  	_ =	swait.ge [sflag:s26], $0x2000  }
0x63: {  	[sflag:s26] =	ssyncset.done $0x0  }
0x64: {  	s11 =	simm.s32 $0x180;
	[sflag:s26] =	ssyncadd.s32 $0xFFFFE000  }
0x65: {  	[spmem:s3] =	stream.indirect.scatter.add.f32 [tilespmem:s22], [sflag:$0x6], $0x80, s11, s21, $0xb8;
	[tilespmem:$0x1E800] =	vst v63  }
0x66: {  	_ =	swait.ge [sflag:s28], $0x2000  }
0x67: {  	[sflag:s28] =	ssyncset.done $0x0  }
0x68: {  	s12 =	simm.s32 $0x280;
	[sflag:s28] =	ssyncadd.s32 $0xFFFFE000  }
0x69: {  	[spmem:s3] =	stream.indirect.scatter.add.f32 [tilespmem:s23], [sflag:$0x7], $0x80, s12, s21, $0xb8;
	[tilespmem:$0x1E800] =	vst v63  }
0x6a: {  	_ =	swait.ge [sflag:s29], $0x2000  }
0x6b: {  	[sflag:s29] =	ssyncset.done $0x0  }
0x6c: {  	s13 =	simm.s32 $0x380;
	[sflag:s29] =	ssyncadd.s32 $0xFFFFE000  }
0x6d: {  	[spmem:s3] =	stream.indirect.scatter.add.f32 [tilespmem:s24], [sflag:$0x8], $0x80, s13, s21, $0xb8;
	[tilespmem:$0x1E800] =	vst v63  }
0x6e: {  	_ =	swait.ge [sflag:s30], $0x2000  }
0x6f: {  	[sflag:s30] =	ssyncset.done $0x0  }
0x70: {  	[sflag:s30] =	ssyncadd.s32 $0xFFFFE000  }
0x71: {  	_ =	swait.ge [sflag:s31], $0x2000  }
0x72: {  	[sflag:s31] =	ssyncset.done $0x0  }
0x73: {  	[sflag:s31] =	ssyncadd.s32 $0xFFFFE000  }
0x74: {  	_ =	swait.ge [sflag:s1], $0x2000  }
0x75: {  	[sflag:s1] =	ssyncset.done $0x0  }
0x76: {  	[sflag:s1] =	ssyncadd.s32 $0xFFFFE000  }
0x77: {  	_ =	swait.ge [sflag:s2], $0x2000  }
0x78: {  	s10 =	simm.s32 $0x1000;
	s11 =	simm.s32 $0x2000;
	[sflag:s2] =	ssyncset.done $0x0  }
.LBB2_5:
0x79: {  	s13 =	sshra.s32 s10, $0x2  }
0x7a: {  	[sflag:s2] =	ssyncadd.s32 $0xFFFFE000;
	s10 =	smov.u32 s11;
	s12 =	sadd.s32 $0x1000, s11  }
0x7b: {  	[tilespmem:s19], [sflag:$0x1] =	stream.indirect.gather [hbm4b:s0+s21], $0x80, s13, s21, $0xb8;
	[tilespmem:$0x1E800] =	vst v63  }
0x7c: {  	p0 =	sne.s32 s11, $0x9000;
	s11 =	sadd.s32 $0x100, s13  }
0x7d: {  	[tilespmem:s22], [sflag:$0x2] =	stream.indirect.gather [hbm4b:s0+s21], $0x80, s11, s21, $0xb8;
	[tilespmem:$0x1E800] =	vst v63  }
0x7e: {  	s11 =	sadd.s32 $0x200, s13  }
0x7f: {  	[tilespmem:s23], [sflag:$0x3] =	stream.indirect.gather [hbm4b:s0+s21], $0x80, s11, s21, $0xb8;
	[tilespmem:$0x1E800] =	vst v63  }
0x80: {  	s11 =	sadd.s32 $0x300, s13  }
0x81: {  	[tilespmem:s24], [sflag:$0x4] =	stream.indirect.gather [hbm4b:s0+s21], $0x80, s11, s21, $0xb8;
	[tilespmem:$0x1E800] =	vst v63  }
0x82: {  	_ =	swait.ge [sflag:s25], $0x2000  }
0x83: {  	[sflag:s25] =	ssyncset.done $0x0  }
0x84: {  	s11 =	sadd.s32 $0x80, s13;
	[sflag:s25] =	ssyncadd.s32 $0xFFFFE000  }
0x85: {  	[spmem:s3] =	stream.indirect.scatter.add.f32 [tilespmem:s19], [sflag:$0x5], $0x80, s11, s21, $0xb8;
	[tilespmem:$0x1E800] =	vst v63  }
0x86: {  	_ =	swait.ge [sflag:s26], $0x2000  }
0x87: {  	[sflag:s26] =	ssyncset.done $0x0  }
0x88: {  	s11 =	sadd.s32 $0x180, s13;
	[sflag:s26] =	ssyncadd.s32 $0xFFFFE000  }
0x89: {  	[spmem:s3] =	stream.indirect.scatter.add.f32 [tilespmem:s22], [sflag:$0x6], $0x80, s11, s21, $0xb8;
	[tilespmem:$0x1E800] =	vst v63  }
0x8a: {  	_ =	swait.ge [sflag:s28], $0x2000  }
0x8b: {  	[sflag:s28] =	ssyncset.done $0x0  }
0x8c: {  	s11 =	sadd.s32 $0x280, s13;
	[sflag:s28] =	ssyncadd.s32 $0xFFFFE000  }
0x8d: {  	[spmem:s3] =	stream.indirect.scatter.add.f32 [tilespmem:s23], [sflag:$0x7], $0x80, s11, s21, $0xb8;
	[tilespmem:$0x1E800] =	vst v63  }
0x8e: {  	_ =	swait.ge [sflag:s29], $0x2000  }
0x8f: {  	[sflag:s29] =	ssyncset.done $0x0  }
0x90: {  	s11 =	sadd.s32 $0x380, s13;
	[sflag:s29] =	ssyncadd.s32 $0xFFFFE000  }
0x91: {  	[spmem:s3] =	stream.indirect.scatter.add.f32 [tilespmem:s24], [sflag:$0x8], $0x80, s11, s21, $0xb8;
	[tilespmem:$0x1E800] =	vst v63  }
0x92: {  	_ =	swait.ge [sflag:s30], $0x2000  }
0x93: {  	[sflag:s30] =	ssyncset.done $0x0  }
0x94: {  	[sflag:s30] =	ssyncadd.s32 $0xFFFFE000  }
0x95: {  	_ =	swait.ge [sflag:s31], $0x2000  }
0x96: {  	[sflag:s31] =	ssyncset.done $0x0  }
0x97: {  	[sflag:s31] =	ssyncadd.s32 $0xFFFFE000  }
.Ltmp1:
0x98: {  	_ =	swait.ge [sflag:s1], $0x2000;
	(pc) =	sbr.rel @p0 .LBB2_5-.Ltmp1, $4  }
0x99: {  	[sflag:s1] =	ssyncset.done $0x0  }
0x9a: {  	[sflag:s1] =	ssyncadd.s32 $0xFFFFE000  }
0x9b: {  	_ =	swait.ge [sflag:s2], $0x2000  }
0x9c: {  	s11 =	smov.u32 s12;
	[sflag:s2] =	ssyncset.done $0x0  }
0x9d: {  	s10 =	sshra.s32 s10, $0x2;
	[sflag:s2] =	ssyncadd.s32 $0xFFFFE000  }
0x9e: {  	[tilespmem:s19], [sflag:$0x1] =	stream.indirect.gather [hbm4b:s0+s21], $0x80, s10, s21, $0xb8;
	[tilespmem:$0x1E800] =	vst v63  }
0x9f: {  	s11 =	sadd.s32 $0x100, s10  }
0xa0: {  	[tilespmem:s22], [sflag:$0x2] =	stream.indirect.gather [hbm4b:s0+s21], $0x80, s11, s21, $0xb8;
	[tilespmem:$0x1E800] =	vst v63  }
0xa1: {  	s13 =	sadd.s32 $0x200, s10  }
0xa2: {  	[tilespmem:s23], [sflag:$0x3] =	stream.indirect.gather [hbm4b:s0+s21], $0x80, s13, s21, $0xb8;
	[tilespmem:$0x1E800] =	vst v63  }
0xa3: {  	s12 =	sadd.s32 $0x300, s10  }
0xa4: {  	[tilespmem:s24], [sflag:$0x4] =	stream.indirect.gather [hbm4b:s0+s21], $0x80, s12, s21, $0xb8;
	[tilespmem:$0x1E800] =	vst v63  }
0xa5: {  	_ =	swait.ge [sflag:s25], $0x2000  }
0xa6: {  	[sflag:s25] =	ssyncset.done $0x0  }
0xa7: {  	s13 =	sadd.s32 $0x80, s10;
	[sflag:s25] =	ssyncadd.s32 $0xFFFFE000  }
0xa8: {  	[spmem:s3] =	stream.indirect.scatter.add.f32 [tilespmem:s19], [sflag:$0x5], $0x80, s13, s21, $0xb8;
	[tilespmem:$0x1E800] =	vst v63  }
0xa9: {  	_ =	swait.ge [sflag:s26], $0x2000  }
0xaa: {  	[sflag:s26] =	ssyncset.done $0x0  }
0xab: {  	s12 =	sadd.s32 $0x180, s10;
	[sflag:s26] =	ssyncadd.s32 $0xFFFFE000  }
0xac: {  	[spmem:s3] =	stream.indirect.scatter.add.f32 [tilespmem:s22], [sflag:$0x6], $0x80, s12, s21, $0xb8;
	[tilespmem:$0x1E800] =	vst v63  }
0xad: {  	_ =	swait.ge [sflag:s28], $0x2000  }
0xae: {  	[sflag:s28] =	ssyncset.done $0x0  }
0xaf: {  	s13 =	sadd.s32 $0x280, s10;
	[sflag:s28] =	ssyncadd.s32 $0xFFFFE000  }
0xb0: {  	[spmem:s3] =	stream.indirect.scatter.add.f32 [tilespmem:s23], [sflag:$0x7], $0x80, s13, s21, $0xb8;
	[tilespmem:$0x1E800] =	vst v63  }
0xb1: {  	_ =	swait.ge [sflag:s29], $0x2000  }
0xb2: {  	[sflag:s29] =	ssyncset.done $0x0  }
0xb3: {  	s10 =	sadd.s32 $0x380, s10;
	[sflag:s29] =	ssyncadd.s32 $0xFFFFE000  }
0xb4: {  	[spmem:s3] =	stream.indirect.scatter.add.f32 [tilespmem:s24], [sflag:$0x8], $0x80, s10, s21, $0xb8;
	[tilespmem:$0x1E800] =	vst v63  }
0xb5: {  	_ =	swait.ge [sflag:s30], $0x2000  }
0xb6: {  	[sflag:s30] =	ssyncset.done $0x0  }
0xb7: {  	[sflag:s30] =	ssyncadd.s32 $0xFFFFE000  }
0xb8: {  	_ =	swait.ge [sflag:s31], $0x2000  }
0xb9: {  	[sflag:s31] =	ssyncset.done $0x0  }
0xba: {  	s9 =	sadd.s32 $0x1, s9;
	[sflag:s31] =	ssyncadd.s32 $0xFFFFE000  }
0xbb: {  	p0 =	sne.s32 s9, $0x4;
	_ =	swait.ge [sflag:s1], $0x2000  }
.Ltmp2:
0xbc: {  	[sflag:s1] =	ssyncset.done $0x0;
	(pc) =	sbr.rel @p0 .LBB2_4-.Ltmp2, $4  }
0xbd: {  	[sflag:s1] =	ssyncadd.s32 $0xFFFFE000  }
0xbe: {  	_ =	swait.ge [sflag:s2], $0x2000  }
0xbf: {  	[sflag:s2] =	ssyncset.done $0x0  }
0xc0: {  	[sflag:s2] =	ssyncadd.s32 $0xFFFFE000  }
0xc1: {  	s8 =	stileid.u32  }
0xc2: {  	[bflag:$0x0] =	sbarrier.arrive $0xFFFF;
	s8 =	sshll.u32 s8, $0x6  }
0xc3: {  	s9 =	sshrl.u32 s6, $0x3;
	s10 =	rddreg [dreg:$0x4];
	s8 =	sor.u32 $0x1C09, s8  }
0xc4: {  	[hbm:s10], [sflag:s8] =	dma.local [spmem:s9], $0x2800  }
0xc5: {  	_ =	swait.ge [sflag:s20], $0x2800  }
0xc6: {  	s4 =	sadd.s32 $0x1, s4;
	s13 =	rddreg [dreg:$0x5]  }
0xc7: {  	p0 =	sne.s32 s4, s13  }
.Ltmp3:
0xc8: {  	_ = 	snop;
	(pc) =	sbr.rel @p0 .LBB2_1-.Ltmp3, $3  }
0xc9: {  	_ =	sdelay $0x1  }
0xca: {  	[sflag:s20] =	ssyncset.done $0x0  }
0xcb: {  	[sflag:s20] =	ssyncadd.s32 $0xFFFFD800  }
0xcc: {  	_ =	sfence.sel $0x180000  }
0xcd: {  	[bflag:$0x0] =	sbarrier.arrive $0xFFFF  }
0xce: {  	_ =	strace $0x9000004D  }
0xcf: {  	s0 =	stileid.u32;
	[bflag:$0x2] =	sbarrier.arrive $0xFFFF  }
0xd0: {  	p0 =	sne.s32 s0, $0x0;
	s0 =	rddreg [dreg:$0x3]  }
0xd1: {  	s0 =	sadd.s32 @!p0 $0x100000, s0  }
0xd2: {  	[sflag:s0] =	ssyncadd.tile.s32 @!p0 $0x1;
	_ =	shalt  }
.Lfunc_end2:
_tile_overlayer_lowered:
.L_overlay_start_2:
0xd3: {  	(tag) =	ssettag $0x2  }
0xd4: {  	s0 =	rddreg [dreg:$0x0];
	s2 =	stileid.u32  }
0xd5: {  	s1 =	rddreg [dreg:$0x1];
	p0 =	sne.s32 s2, $0x0  }
0xd6: {  	s3 =	rddreg [dreg:$0x2];
	[bflag:$0x3] =	sbarrier.arrive $0xFFFF;
	s2 =	simm.s32 @!p0 $0x1C09  }
0xd7: {  	[timem:s3], [sflag:s2] =	dma.local @!p0 [hbm:s0], s1  }
0xd8: {  	s0 =	simm.s32 @!p0 $0x9  }
0xd9: {  	_ =	swait.ge @!p0 [sflag:s0], s1  }
0xda: {  	s1 =	ssub.s32 @!p0 $0x0, s1;
	[sflag:s0] =	ssyncset.done @!p0 $0x0  }
0xdb: {  	[sflag:s0] =	ssyncadd.s32 @!p0 s1  }
0xdc: {  	[bflag:$0x3] =	sbarrier.arrive $0xFFFF  }
0xdd: {  	_ =	shalt  }

// kernel: kernel.8.cloned.1.call-start
scs
__scs_entry_jumppad:
0x0: {  	(pc) =	sbr.rel $0x88, $3  }
0x1: {  	(tag) =	ssettag $0x0;
	lr =	simm.s32 $0x1  }
0x2: {  	[smem:$0x3F99] =	sst lr;
	_ =	strace $0xD0000000  }
0x3: {  	_ = 	snop  }
0x4: {  	_ = 	snop  }
0x5: {  	_ = 	snop  }
0x6: {  	_ = 	snop  }
0x7: {  	_ = 	snop  }
__scs_overlays_trampoline_lowered:
0x8: {  	[smem:$0x3FA8] =	sst s0  }
0x9: {  	[smem:$0x3FA9] =	sst s1  }
0xa: {  	[smem:$0x3FAA] =	sst s2  }
0xb: {  	[smem:$0x3FAB] =	sst s3  }
0xc: {  	[smem:$0x3FAC] =	sst s4  }
0xd: {  	[smem:$0x3FAD] =	sst s5  }
0xe: {  	[smem:$0x3FAE] =	sst s6  }
0xf: {  	[smem:$0x3FAF] =	sst s7  }
0x10: {  	[smem:$0x3FB0] =	sst s8  }
0x11: {  	[smem:$0x3FB1] =	sst s9;
	s0 =	simm.s32 @!p0 $0x0  }
0x12: {  	s1 =	sld [smem:$0x3F97];
	s0 =	simm.s32 @p0 $0x1  }
0x13: {  	[smem:$0x3FB2] =	sst s0;
	s0 =	simm.s32 @!p1 $0x0  }
0x14: {  	s2 =	sld [smem:$0x3F96];
	s0 =	simm.s32 @p1 $0x1  }
0x15: {  	[smem:$0x3FB3] =	sst s0;
	s0 =	simm.s32 @!p2 $0x0  }
0x16: {  	s3 =	sld [smem:$0x3FDB];
	s0 =	simm.s32 @p2 $0x1  }
0x17: {  	s4 =	simm.s32 $0x1BF5;
	[smem:$0x3FB5] =	sst s0  }
0x18: {  	s0 =	sld [smem:$0x3F98];
	_ =	swait.ge [sflag:s4], $0x0  }
0x19: {  	s7 =	sld [smem:$0x3F99]  }
0x1a: {  	s8 =	sadd.s32 $0xFFFFE003, lr  }
0x1b: {  	s9 =	sadd.s32 $0xFFFFFEF7, lr;
	s5 =	simm.s32 $0xFFFFFFFF;
	p2 =	slt.u32 s8, $0xFFFFF086  }
0x1c: {  	p1 =	slt.u32 s9, $0xF7A;
	s5 =	simm.s32 @!p2 $0x0  }
0x1d: {  	s5 =	simm.s32 @p1 $0x1;
	p0 =	seq.s32 s7, s2  }
0x1e: {  	s7 =	smul.u32 @!p0 $0xF7A, s2;
	p2 =	seq.s32 @!p0 s5, $0x0  }
0x1f: {  	s9 =	smul.u32 $0xF7A, s1;
	s8 =	simm.s32 @!p0 $0x1BF5;
	p2 =	por !p2, p0  }
0x20: {  	[sflag:s8] =	ssyncset.s32 @!p0 $0xFFFFF086;
	s6 =	sadd.s32 @!p0 s3, s7;
	s7 =	simm.s32 @!p0 $0x108  }
0x21: {  	s3 =	sadd.s32 s3, s9;
	s6 =	sadd.s32 @!p0 $0x88, s6;
	s7 =	simm.s32 @p2 $0x1082  }
0x22: {  	[simem:s7], [sflag:s8] =	dma.local @!p0 [hbm:s6], $0xF7A  }
0x23: {  	s9 =	sor.u32 $0xD0000000, s2;
	s6 =	simm.s32 $0x108;
	_ =	swait.ge @!p0 [sflag:s8], $0x0  }
0x24: {  	s3 =	sadd.s32 $0x88, s3;
	s6 =	simm.s32 @!p1 $0x1082;
	[sflag:s4] =	ssyncset.s32 $0xFFFFF086  }
0x25: {  	[simem:s6], [sflag:s4] =	dma.local [hbm:s3], $0xF7A  }
0x26: {  	[smem:$0x3F99] =	sst s1;
	(tag) =	ssettag s2;
	_ =	strace s9  }
0x27: {  	s1 =	sld [smem:$0x3FA9]  }
0x28: {  	s2 =	sld [smem:$0x3FAA]  }
0x29: {  	s4 =	sld [smem:$0x3FAC]  }
0x2a: {  	p0 =	seq.s32 s5, $0x0;
	s5 =	sld [smem:$0x3FAD]  }
0x2b: {  	s6 =	sld [smem:$0x3FAE]  }
0x2c: {  	s7 =	sld [smem:$0x3FAF]  }
0x2d: {  	s3 =	simm.s32 $0x108;
	s8 =	sld [smem:$0x3FB0]  }
0x2e: {  	s3 =	simm.s32 @!p0 $0x1082;
	s9 =	sld [smem:$0x3FB1]  }
0x2f: {  	lr =	sadd.s32 s0, s3;
	s0 =	sld [smem:$0x3FA8]  }
0x30: {  	s3 =	sld [smem:$0x3FAB]  }
0x31: {  	[smem:$0x3FB4] =	sst s10  }
0x32: {  	s10 =	sld [smem:$0x3FB2];
	_ =	sdelay $0x3  }
0x33: {  	p0 =	seq.s32 s10, $0x1;
	s10 =	sld [smem:$0x3FB4];
	_ =	sdelay $0x3  }
0x34: {  	[smem:$0x3FB4] =	sst s10  }
0x35: {  	s10 =	sld [smem:$0x3FB3];
	_ =	sdelay $0x3  }
0x36: {  	p1 =	seq.s32 s10, $0x1;
	s10 =	sld [smem:$0x3FB4];
	_ =	sdelay $0x3  }
0x37: {  	[smem:$0x3FB4] =	sst s10  }
0x38: {  	s10 =	sld [smem:$0x3FB5]  }
0x39: {  	_ = 	snop;
	(pc) =	sbr.ind lr, $3  }
0x3a: {  	_ = 	snop  }
0x3b: {  	_ = 	snop  }
0x3c: {  	p2 =	seq.s32 s10, $0x1;
	s10 =	sld [smem:$0x3FB4]  }
0x3d: {  	_ =	shalt  }
0x3e: {  	_ =	shalt  }
0x3f: {  	_ =	shalt  }
0x40: {  	_ =	shalt  }
0x41: {  	_ =	shalt  }
0x42: {  	_ =	shalt  }
0x43: {  	_ =	shalt  }
0x44: {  	_ =	shalt  }
0x45: {  	_ =	shalt  }
0x46: {  	_ =	shalt  }
0x47: {  	_ =	shalt  }
0x48: {  	_ =	shalt  }
0x49: {  	_ =	shalt  }
0x4a: {  	_ =	shalt  }
0x4b: {  	_ =	shalt  }
0x4c: {  	_ =	shalt  }
0x4d: {  	_ =	shalt  }
0x4e: {  	_ =	shalt  }
0x4f: {  	_ =	shalt  }
0x50: {  	_ =	shalt  }
0x51: {  	_ =	shalt  }
0x52: {  	_ =	shalt  }
0x53: {  	_ =	shalt  }
0x54: {  	_ =	shalt  }
0x55: {  	_ =	shalt  }
0x56: {  	_ =	shalt  }
0x57: {  	_ =	shalt  }
0x58: {  	_ =	shalt  }
0x59: {  	_ =	shalt  }
0x5a: {  	_ =	shalt  }
0x5b: {  	_ =	shalt  }
0x5c: {  	_ =	shalt  }
0x5d: {  	_ =	shalt  }
0x5e: {  	_ =	shalt  }
0x5f: {  	_ =	shalt  }
0x60: {  	_ =	shalt  }
0x61: {  	_ =	shalt  }
0x62: {  	_ =	shalt  }
0x63: {  	_ =	shalt  }
0x64: {  	_ =	shalt  }
0x65: {  	_ =	shalt  }
0x66: {  	_ =	shalt  }
0x67: {  	_ =	shalt  }
0x68: {  	_ =	shalt  }
0x69: {  	_ =	shalt  }
0x6a: {  	_ =	shalt  }
0x6b: {  	_ =	shalt  }
0x6c: {  	_ =	shalt  }
0x6d: {  	_ =	shalt  }
0x6e: {  	_ =	shalt  }
0x6f: {  	_ =	shalt  }
0x70: {  	_ =	shalt  }
0x71: {  	_ =	shalt  }
0x72: {  	_ =	shalt  }
0x73: {  	_ =	shalt  }
0x74: {  	_ =	shalt  }
0x75: {  	_ =	shalt  }
0x76: {  	_ =	shalt  }
0x77: {  	_ =	shalt  }
0x78: {  	_ =	shalt  }
0x79: {  	_ =	shalt  }
0x7a: {  	_ =	shalt  }
0x7b: {  	_ =	shalt  }
0x7c: {  	_ =	shalt  }
0x7d: {  	_ =	shalt  }
0x7e: {  	_ =	shalt  }
0x7f: {  	_ =	shalt  }
0x80: {  	_ =	shalt  }
0x81: {  	_ =	shalt  }
0x82: {  	_ =	shalt  }
0x83: {  	_ =	shalt  }
0x84: {  	_ =	shalt  }
0x85: {  	_ =	shalt  }
0x86: {  	_ =	shalt  }
0x87: {  	_ =	shalt  }
.Lfunc_end0:
.L_simem_size_0:
called_computation_lowered:
.L_overlay_start_0:
0x88: {  	s2 =	sld [smem:$0x3FD9]  }
0x89: {  	s3 =	sld [smem:$0x3FFE];
	_ =	sdelay $0x1  }
0x8a: {  	s1 =	srdreg.scid  }
0x8b: {  	s0 =	sand.u32 $0x1, s1  }
0x8c: {  	s17 =	sshll.u32 s0, $0xA;
	s2 =	sadd.s32 s3, s2  }
0x8d: {  	s2 =	sadd.s32 s2, s17  }
0x8e: {  	[smem:$0x3FC0] =	sst s2  }
0x8f: {  	_ = 	snop  }
0x90: {  	(tm) =	ssettm $0x1  }
0x91: {  	s18 =	sld [smem:$0x3FFB];
	_ =	sdelay $0x3  }
0x92: {  	_ =	strace s18  }
0x93: {  	s2 =	sld [smem:$0x3FFC];
	_ =	sdelay $0x3  }
0x94: {  	_ =	strace s2  }
0x95: {  	s2 =	sld [smem:$0x3FFD];
	_ =	sdelay $0x3  }
0x96: {  	_ =	strace s2  }
0x97: {  	_ =	strace $0x8FFFFFFF  }
0x98: {  	s19 =	sld [smem:$0x3FDB];
	_ =	sdelay $0x1  }
0x99: {  	s20 =	simm.s32 $_scs_section_size  }
0x9a: {  	s4 =	simm.s32 $_size__tile_overlayer_lowered;
	s5 =	simm.s32 $_tile_overlayer_lowered  }
0x9b: {  	s6 =	simm.s32 $0x1BFF;
	s21 =	sshll.u32 s5, $0x1;
	s3 =	sadd.s32 s20, s19  }
0x9c: {  	s22 =	simm.s32 $0x0;
	s4 =	sshll.u32 s4, $0x1;
	s5 =	sadd.s32 s21, s3  }
0x9d: {  	[timem:s22], [sflag:s6] =	dma.local [hbm:s5], s4  }
0x9e: {  	_ =	swait.ge [sflag:s6], s4  }
0x9f: {  	s4 =	ssub.s32 $0x0, s4;
	[sflag:s6] =	ssyncset.done $0x0  }
0xa0: {  	[sflag:s6] =	ssyncadd.s32 s4;
	_ =	sdelay $0x1  }
0xa1: {  	s23 =	simm.s32 $0x1B8B  }
0xa2: {  	_ =	swait.ge [sflag:s23], $0x1  }
0xa3: {  	[sflag:s23] =	ssyncset.done $0x0  }
0xa4: {  	[sflag:s23] =	ssyncadd.s32 $0xFFFFFFFF  }
0xa5: {  	s4 =	sld [smem:$0x0]  }
0xa6: {  	s5 =	sand.u32 $0xFFFFFFFE, s1  }
0xa7: {  	p0 =	sne.s32 s1, s5  }
0xa8: {  	s5 =	sshll.u32 @p0 s5, $0xE  }
0xa9: {  	s5 =	sadd.s32 @p0 $0x11B8D, s5;
	s6 =	sshll.u32 @p0 s4, $0x11  }
0xaa: {  	s5 =	sor.u32 @p0 s6, s5  }
0xab: {  	[sflag:s5] =	ssyncadd.remote.s32 @p0 $0x1;
	_ =	sdelay $0x1  }
0xac: {  	s5 =	simm.s32 @p0 $0x1B8D  }
0xad: {  	_ =	swait.eq @p0 [sflag:s5], $0x1  }
0xae: {  	[sflag:s5] =	ssyncadd.s32 @p0 $0xFFFFFFFF  }
0xaf: {  	s6 =	sshll.u32 @!p0 s1, $0xE  }
0xb0: {  	s6 =	sor.u32 @!p0 $0x4000, s6;
	s5 =	simm.s32 @!p0 $0x1B8D  }
0xb1: {  	s4 =	sshll.u32 @!p0 s4, $0x11;
	s6 =	sadd.s32 @!p0 $0x11B8D, s6;
	_ =	swait.eq @!p0 [sflag:s5], $0x1  }
0xb2: {  	s4 =	sor.u32 @!p0 s4, s6;
	[sflag:s5] =	ssyncadd.s32 @!p0 $0xFFFFFFFF  }
0xb3: {  	s25 =	simm.s32 $0x1B8E;
	s24 =	sld [smem:$0x3FFE];
	[sflag:s4] =	ssyncadd.remote.s32 @!p0 $0x1  }
0xb4: {  	s26 =	simm.s32 $execute0_lowered;
	[smem:$0x3FD2] =	sst s25  }
0xb5: {  	s5 =	sshll.u32 s26, $0x1;
	_ =	strace $0x80000049;
	[dreg:$0x1] =	wrdreg $0xFFFFFFFF  }
0xb6: {  	s28 =	simm.s32 $_size_execute0_lowered;
	s3 =	sadd.s32 s3, s5;
	[dreg:$0x0] =	wrdreg $0x0  }
0xb7: {  	s5 =	sshll.u32 s28, $0x1;
	[dreg:$0x2] =	wrdreg s3  }
0xb8: {  	[dreg:$0x3] =	wrdreg s5  }
0xb9: {  	[dreg:$0x4] =	wrdreg $0xC0  }
0xba: {  	_ =	task [dreg:s22], $0x5FFFF  }
0xbb: {  	[dreg:$0x1] =	wrdreg $0xFFFFFFFF  }
0xbc: {  	[dreg:$0x0] =	wrdreg $0x60  }
0xbd: {  	[dreg:$0x2] =	wrdreg s24  }
0xbe: {  	[dreg:$0x3] =	wrdreg $0x90000  }
0xbf: {  	[dreg:$0x4] =	wrdreg $0x9  }
0xc0: {  	_ =	task.clear_ibuf [dreg:s22], $0x5FFFF;
	_ =	strace $0x90000049  }
0xc1: {  	s29 =	simm.s32 $0x9;
	_ =	strace $0x8000004B  }
0xc2: {  	_ =	swait.ge [sflag:s29], $0x1  }
0xc3: {  	[sflag:s29] =	ssyncadd.s32 $0xFFFFFFFF  }
0xc4: {  	_ =	strace $0x9000004B  }
0xc5: {  	_ =	sfence  }
0xc6: {  	s30 =	sld [smem:$0x0];
	_ =	sdelay $0x2  }
0xc7: {  	s31 =	sshll.u32 s1, $0xD;
	s1 =	sshrl.u32 s1, $0x2  }
0xc8: {  	s4 =	sand.u32 $0x4000, s31;
	s1 =	sadd.s32 s1, s30  }
0xc9: {  	s0 =	sor.u32 s4, s0;
	s1 =	sshll.u32 s1, $0x11  }
0xca: {  	s0 =	sor.u32 s1, s0  }
0xcb: {  	s0 =	sadd.s32 $0x8F2B, s0  }
0xcc: {  	[sflag:s0] =	ssyncadd.remote.s32 $0x1  }
0xcd: {  	_ =	sfence.sel $0xFFFF  }
0xce: {  	[dreg:$0x0] =	wrdreg $0xFFFFFFFF;
	(pc) =	sbr.abs _section_cstart, $3  }
0xcf: {  	[dreg:$0x1] =	wrdreg $0xFFFFFFFF  }
0xd0: {  	_ =	task.clear_ibuf [dreg:s22], $0x2FFFF;
	_ =	strace $0x9FFFFFFF  }
0xd1: {  	(tm) =	ssettm $0x7FFFFFFF  }
tec
execute0_lowered:
.L_overlay_start_1:
0x0: {  	(tag) =	ssettag $0x1  }
0x1: {  	s4 =	rddreg [dreg:$0x0];
	s0 =	srdreg.scid  }
0x2: {  	s2 =	rddreg [dreg:$0x1];
	s1 =	stileid.u32;
	s3 =	simm.s32 $0x0  }
0x3: {  	s15 =	simm.s32 $0x1;
	s16 =	simm.s32 $0x6800;
	s17 =	simm.s32 $0x50  }
0x4: {  	s18 =	simm.s32 $0x4000;
	s20 =	simm.s32 $0x0;
	s7 =	smul.u32 $0x14000, s1  }
0x5: {  	s5 =	sand.u32 $0x1, s0;
	s0 =	rddreg [dreg:$0x2];
	s9 =	smul.u32 $0x50000, s1  }
0x6: {  	[smem:$0x7FF] =	sst s3;
	s8 =	sshll.u32 s1, $0xB;
	s6 =	smul.u32 $0x140000, s5  }
0x7: {  	s19 =	sshll.u32 s1, $0x6;
	_ =	strace $0x8000004A;
	s8 =	sadd.s32 s8, s4  }
0x8: {  	s28 =	ssub.s32 $0x2, s5;
	s5 =	sshll.u32 s5, $0xF;
	s6 =	sadd.s32 s7, s6  }
0x9: {  	s19 =	sor.u32 $0x1C01, s19;
	s29 =	sshrl.u32 s28, $0x1;
	s6 =	sshrl.u32 s6, $0x3  }
0xa: {  	s30 =	sadd.s32 s5, s8;
	s31 =	sshrl.u32 s9, $0x2;
	s6 =	sadd.s32 s6, s4  }
0xb: {  	s7 =	ssub.s32 s28, s29;
	s5 =	sadd.s32 $0x9AE00, s6;
	s6 =	sadd.s32 s31, s2  }
0xc: {  	s7 =	smax.u32 s7, $0x1;
	s4 =	sadd.s32 $0x8AE00, s30;
	s8 =	sadd.s32 $0x2800, s6  }
0xd: {  	s9 =	sadd.s32 $0x5000, s6;
	s10 =	sadd.s32 $0x7800, s6;
	s11 =	sadd.s32 $0xA000, s6  }
0xe: {  	v0 =	vimm.f32 $1.000000000e+00;
	v1 =	vimm.f32 $0.0e+00;
	s12 =	sadd.s32 $0xC800, s6;
	s13 =	sadd.s32 $0xF000, s6;
	s14 =	sadd.s32 $0x11800, s6  }
.LBB2_1:
0xf: {  	[tilespmem:s3], [sflag:$0x1] =	stream.linear.gather [hbm4b:s4+s3], $0x3E80, $0x38;
	[tilespmem:$0x1D000] =	vst v63  }
0x10: {  	_ =	swait.ge [sflag:s15], $0x3E80  }
0x11: {  	[sflag:s15] =	ssyncset.done $0x0  }
0x12: {  	s21 =	simm.s32 $0x70;
	s22 =	simm.s32 $0x3C0;
	[sflag:s15] =	ssyncadd.s32 $0xFFFFC180  }
.LBB2_2:
0x13: {  	p0 =	sne.s32 s22, $0x9FC0;
	[tilespmem:s21+$0x4000] =	vst v0  }
0x14: {  	[tilespmem:s21+$0x3F90] =	vst v0  }
0x15: {  	[tilespmem:s21+$0x3FA0] =	vst v0  }
.Ltmp0:
0x16: {  	[tilespmem:s21+$0x3FB0] =	vst v0;
	(pc) =	sbr.rel @p0 .LBB2_2-.Ltmp0, $4  }
0x17: {  	[tilespmem:s21+$0x3FC0] =	vst v0  }
0x18: {  	[tilespmem:s21+$0x3FD0] =	vst v0  }
0x19: {  	[tilespmem:s21+$0x3FE0] =	vst v0  }
0x1a: {  	[tilespmem:s21+$0x3FF0] =	vst v0;
	s21 =	sshra.s32 s22, $0x2;
	s22 =	sadd.s32 $0x200, s22  }
0x1b: {  	[tilespmem:s21+$0x4000] =	vst v0  }
0x1c: {  	[tilespmem:s21+$0x3F90] =	vst v0  }
0x1d: {  	[tilespmem:s21+$0x3FA0] =	vst v0  }
0x1e: {  	[tilespmem:s21+$0x3FB0] =	vst v0  }
0x1f: {  	[tilespmem:s21+$0x3FC0] =	vst v0  }
0x20: {  	[tilespmem:s21+$0x3FD0] =	vst v0  }
0x21: {  	[tilespmem:s21+$0x3FE0] =	vst v0  }
0x22: {  	[tilespmem:s21+$0x3FF0] =	vst v0;
	s21 =	simm.s32 $0x70;
	s22 =	simm.s32 $0x3C0  }
.LBB2_4:
0x23: {  	p0 =	sne.s32 s22, $0x9FC0;
	[tilespmem:s21+$0x6800] =	vst v1  }
0x24: {  	[tilespmem:s21+$0x6790] =	vst v1  }
0x25: {  	[tilespmem:s21+$0x67A0] =	vst v1  }
.Ltmp1:
0x26: {  	[tilespmem:s21+$0x67B0] =	vst v1;
	(pc) =	sbr.rel @p0 .LBB2_4-.Ltmp1, $4  }
0x27: {  	[tilespmem:s21+$0x67C0] =	vst v1  }
0x28: {  	[tilespmem:s21+$0x67D0] =	vst v1  }
0x29: {  	[tilespmem:s21+$0x67E0] =	vst v1  }
0x2a: {  	[tilespmem:s21+$0x67F0] =	vst v1;
	s21 =	sshra.s32 s22, $0x2;
	s22 =	sadd.s32 $0x200, s22  }
0x2b: {  	[tilespmem:s21+$0x6800] =	vst v1  }
0x2c: {  	[tilespmem:s21+$0x6790] =	vst v1  }
0x2d: {  	[tilespmem:s21+$0x67A0] =	vst v1  }
0x2e: {  	[tilespmem:s21+$0x67B0] =	vst v1  }
0x2f: {  	[tilespmem:s21+$0x67C0] =	vst v1  }
0x30: {  	[tilespmem:s21+$0x67D0] =	vst v1  }
0x31: {  	[tilespmem:s21+$0x67E0] =	vst v1  }
0x32: {  	[tilespmem:s21+$0x67F0] =	vst v1  }
0x33: {  	[spmem:s6] =	stream.linear.scatter [tilespmem:s16], [sflag:$0x1], $0x2800, $0x38;
	[tilespmem:$0x1D000] =	vst v63  }
0x34: {  	_ =	swait.ge [sflag:s15], $0x2800  }
0x35: {  	[sflag:s15] =	ssyncset.done $0x0  }
0x36: {  	[sflag:s15] =	ssyncadd.s32 $0xFFFFD800  }
0x37: {  	[spmem:s8] =	stream.linear.scatter [tilespmem:s16], [sflag:$0x1], $0x2800, $0x38;
	[tilespmem:$0x1D000] =	vst v63  }
0x38: {  	_ =	swait.ge [sflag:s15], $0x2800  }
0x39: {  	[sflag:s15] =	ssyncset.done $0x0  }
0x3a: {  	[sflag:s15] =	ssyncadd.s32 $0xFFFFD800  }
0x3b: {  	[spmem:s9] =	stream.linear.scatter [tilespmem:s16], [sflag:$0x1], $0x2800, $0x38;
	[tilespmem:$0x1D000] =	vst v63  }
0x3c: {  	_ =	swait.ge [sflag:s15], $0x2800  }
0x3d: {  	[sflag:s15] =	ssyncset.done $0x0  }
0x3e: {  	[sflag:s15] =	ssyncadd.s32 $0xFFFFD800  }
0x3f: {  	[spmem:s10] =	stream.linear.scatter [tilespmem:s16], [sflag:$0x1], $0x2800, $0x38;
	[tilespmem:$0x1D000] =	vst v63  }
0x40: {  	_ =	swait.ge [sflag:s15], $0x2800  }
0x41: {  	[sflag:s15] =	ssyncset.done $0x0  }
0x42: {  	[sflag:s15] =	ssyncadd.s32 $0xFFFFD800  }
0x43: {  	[spmem:s11] =	stream.linear.scatter [tilespmem:s16], [sflag:$0x1], $0x2800, $0x38;
	[tilespmem:$0x1D000] =	vst v63  }
0x44: {  	_ =	swait.ge [sflag:s15], $0x2800  }
0x45: {  	[sflag:s15] =	ssyncset.done $0x0  }
0x46: {  	[sflag:s15] =	ssyncadd.s32 $0xFFFFD800  }
0x47: {  	[spmem:s12] =	stream.linear.scatter [tilespmem:s16], [sflag:$0x1], $0x2800, $0x38;
	[tilespmem:$0x1D000] =	vst v63  }
0x48: {  	_ =	swait.ge [sflag:s15], $0x2800  }
0x49: {  	[sflag:s15] =	ssyncset.done $0x0  }
0x4a: {  	[sflag:s15] =	ssyncadd.s32 $0xFFFFD800  }
0x4b: {  	[spmem:s13] =	stream.linear.scatter [tilespmem:s16], [sflag:$0x1], $0x2800, $0x38;
	[tilespmem:$0x1D000] =	vst v63  }
0x4c: {  	_ =	swait.ge [sflag:s15], $0x2800  }
0x4d: {  	[sflag:s15] =	ssyncset.done $0x0  }
0x4e: {  	[sflag:s15] =	ssyncadd.s32 $0xFFFFD800  }
0x4f: {  	[spmem:s14] =	stream.linear.scatter [tilespmem:s16], [sflag:$0x1], $0x2800, $0x38;
	[tilespmem:$0x1D000] =	vst v63  }
0x50: {  	_ =	swait.ge [sflag:s15], $0x2800  }
0x51: {  	[sflag:s15] =	ssyncset.done $0x0  }
0x52: {  	[sflag:s15] =	ssyncadd.s32 $0xFFFFD800  }
0x53: {  	s31 =	simm.s32 $0x0;
	[bflag:$0x0] =	sbarrier.arrive $0xFFFF  }
0x54: {  	[spmem:s2] =	stream.indirect.scatter.add.f32 [tilespmem:s18], [sflag:$0x1], $0x80, s31, s17, $0xb8;
	[tilespmem:$0x1D000] =	vst v63  }
0x55: {  	_ =	swait.ge [sflag:s15], $0x2800  }
0x56: {  	s21 =	simm.s32 $0x200;
	[sflag:s15] =	ssyncset.done $0x0  }
.LBB2_6:
0x57: {  	s22 =	sshra.s32 s21, $0x2;
	[sflag:s15] =	ssyncadd.s32 $0xFFFFD800;
	p0 =	sne.s32 s21, $0xF800  }
0x58: {  	[spmem:s2] =	stream.indirect.scatter.add.f32 [tilespmem:s18], [sflag:$0x1], $0x80, s22, s17, $0xb8;
	[tilespmem:$0x1D000] =	vst v63  }
.Ltmp2:
0x59: {  	_ = 	snop;
	(pc) =	sbr.rel @p0 .LBB2_6-.Ltmp2, $4  }
0x5a: {  	_ = 	snop  }
0x5b: {  	s21 =	sadd.s32 $0x200, s21  }
0x5c: {  	_ =	swait.ge [sflag:s15], $0x2800  }
0x5d: {  	[sflag:s15] =	ssyncset.done $0x0  }
0x5e: {  	s20 =	sadd.s32 $0x1, s20  }
0x5f: {  	[sflag:s15] =	ssyncadd.s32 $0xFFFFD800;
	p0 =	sne.s32 s20, s7  }
.Ltmp3:
0x60: {  	s21 =	sshrl.u32 s6, $0x3;
	[bflag:$0x0] =	sbarrier.arrive $0xFFFF;
	(pc) =	sbr.rel @p0 .LBB2_1-.Ltmp3, $4  }
0x61: {  	[hbm:s5], [sflag:s19] =	dma.local [spmem:s21], $0x2800  }
0x62: {  	_ =	swait.ge [sflag:s15], $0x2800  }
0x63: {  	[sflag:s15] =	ssyncset.done $0x0  }
0x64: {  	[sflag:s15] =	ssyncadd.s32 $0xFFFFD800  }
0x65: {  	_ =	sfence.sel $0x180000  }
0x66: {  	[bflag:$0x0] =	sbarrier.arrive $0xFFFF  }
0x67: {  	p0 =	sne.s32 s1, $0x0;
	_ =	strace $0x9000004A  }
0x68: {  	s0 =	sadd.s32 @!p0 $0x100000, s0;
	[bflag:$0x2] =	sbarrier.arrive $0xFFFF  }
0x69: {  	[sflag:s0] =	ssyncadd.tile.s32 @!p0 $0x1;
	_ =	shalt  }
.Lfunc_end2:
_tile_overlayer_lowered:
.L_overlay_start_2:
0x6a: {  	(tag) =	ssettag $0x2  }
0x6b: {  	s0 =	rddreg [dreg:$0x0];
	s2 =	stileid.u32  }
0x6c: {  	s1 =	rddreg [dreg:$0x1];
	p0 =	sne.s32 s2, $0x0  }
0x6d: {  	s3 =	rddreg [dreg:$0x2];
	[bflag:$0x3] =	sbarrier.arrive $0xFFFF;
	s2 =	simm.s32 @!p0 $0x1C01  }
0x6e: {  	[timem:s3], [sflag:s2] =	dma.local @!p0 [hbm:s0], s1  }
0x6f: {  	s0 =	simm.s32 @!p0 $0x1  }
0x70: {  	_ =	swait.ge @!p0 [sflag:s0], s1  }
0x71: {  	s1 =	ssub.s32 @!p0 $0x0, s1;
	[sflag:s0] =	ssyncset.done @!p0 $0x0  }
0x72: {  	[sflag:s0] =	ssyncadd.s32 @!p0 s1  }
0x73: {  	[bflag:$0x3] =	sbarrier.arrive $0xFFFF  }
0x74: {  	_ =	shalt  }

</sc_bundles>
